<compile_context>
chip_gen: v7x
topology: tpu7x:2x2x1
jax: 0.10.2.dev20260603
libtpu: 0.0.44.dev20260713+nightly
codegen_flags: <defaults>
</compile_context>

<pallas_src>
import functools

import jax
import jax.numpy as jnp
from jax import lax
from jax.experimental import pallas as pl
from jax.experimental.pallas import tpu as pltpu
from jax.experimental.pallas import tpu_sc as plsc

N_NODES = 10000
N_PAD = 10240
N_EDGES = 320000
NF = 128
NCLS = 40

NC, NS = 2, 16
NW = NC * NS
CH = 128
CPT = 80
SEG = 40
NSEG = CPT // SEG
E_PAD = NW * CPT * CH
RPT = N_PAD // NS
DEGW = 16
DEG_CH = 128
DEG_CPT = E_PAD // (NW * DEG_CH)
PAD_NODE = N_PAD - 8

_mesh = plsc.VectorSubcoreMesh(core_axis_name="c", subcore_axis_name="s")


@functools.partial(
    pl.kernel,
    out_type=jax.ShapeDtypeStruct((NC, N_PAD, DEGW), jnp.float32),
    mesh=_mesh,
    scratch_types=[
        pltpu.VMEM((DEG_CPT, DEG_CH), jnp.int32),
        pltpu.VMEM((DEG_CH, DEGW), jnp.float32),
        pltpu.VMEM_SHARED((N_PAD, DEGW), jnp.float32),
    ],
    compiler_params=pltpu.CompilerParams(use_tc_tiling_on_sc=False),
)
def _deg_kernel(col_hbm, ones_hbm, zeros_hbm, out_hbm, cidx, ones_v, acc_sh):
    cid = lax.axis_index("c")
    sid = lax.axis_index("s")
    wid = cid * NS + sid
    sl = pl.ds(sid * RPT, RPT)
    pltpu.sync_copy(ones_hbm, ones_v)
    pltpu.sync_copy(col_hbm.at[pl.ds(wid * DEG_CPT, DEG_CPT)], cidx)
    pltpu.sync_copy(zeros_hbm.at[sl], acc_sh.at[sl])
    plsc.subcore_barrier()

    def body(i, carry):
        pltpu.sync_copy(ones_v, acc_sh.at[cidx.at[i]], add=True)
        return carry

    lax.fori_loop(0, DEG_CPT, body, 0)
    plsc.subcore_barrier()
    pltpu.sync_copy(acc_sh.at[sl], out_hbm.at[cid, sl])


@functools.partial(
    pl.kernel,
    out_type=jax.ShapeDtypeStruct((NC, N_PAD, NF), jnp.float32),
    mesh=_mesh,
    scratch_types=[
        pltpu.VMEM((SEG, CH), jnp.int32),
        pltpu.VMEM((SEG, CH), jnp.int32),
        pltpu.VMEM((CH, NF), jnp.float32),
        pltpu.VMEM((CH, NF), jnp.float32),
        pltpu.SemaphoreType.DMA,
        pltpu.SemaphoreType.DMA,
        pltpu.VMEM_SHARED((N_PAD, NF), jnp.float32),
    ],
)
def _agg_kernel(g_hbm, row_hbm, col_hbm, zeros_hbm, out_hbm,
                ridx, cidx, rows0, rows1, sem0, sem1, acc_sh):
    cid = lax.axis_index("c")
    sid = lax.axis_index("s")
    wid = cid * NS + sid
    sl = pl.ds(sid * RPT, RPT)

    @pl.when(cid == 0)
    def _():
        pltpu.sync_copy(g_hbm.at[sl], acc_sh.at[sl])

    @pl.when(cid != 0)
    def _():
        pltpu.sync_copy(zeros_hbm.at[sl], acc_sh.at[sl])

    plsc.subcore_barrier()

    for s in range(NSEG):
        b = wid * CPT + s * SEG
        pltpu.sync_copy(row_hbm.at[pl.ds(b, SEG)], ridx)
        pltpu.sync_copy(col_hbm.at[pl.ds(b, SEG)], cidx)

        def body(m, carry):
            i0 = 2 * m
            c0 = pltpu.async_copy(g_hbm.at[ridx.at[i0]], rows0, sem0)
            c1 = pltpu.async_copy(g_hbm.at[ridx.at[i0 + 1]], rows1, sem1)
            c0.wait()
            pltpu.sync_copy(rows0, acc_sh.at[cidx.at[i0]], add=True)
            c1.wait()
            pltpu.sync_copy(rows1, acc_sh.at[cidx.at[i0 + 1]], add=True)
            return carry

        lax.fori_loop(0, SEG // 2, body, 0)

    plsc.subcore_barrier()
    pltpu.sync_copy(acc_sh.at[sl], out_hbm.at[cid, sl])


BLK = 1000


def _t1_body(x_ref, w_ref, dinv_ref, o_ref):
    h = jnp.dot(x_ref[...], w_ref[...], preferred_element_type=jnp.float32)
    o_ref[...] = dinv_ref[...] * h


_t1 = pl.pallas_call(
    _t1_body,
    grid=(N_NODES // BLK,),
    in_specs=[
        pl.BlockSpec((BLK, NF), lambda i: (i, 0)),
        pl.BlockSpec((NF, NF), lambda i: (0, 0)),
        pl.BlockSpec((BLK, 1), lambda i: (i, 0)),
    ],
    out_specs=pl.BlockSpec((BLK, NF), lambda i: (i, 0)),
    out_shape=jax.ShapeDtypeStruct((N_NODES, NF), jnp.float32),
)


def _t2_body(acc_a_ref, acc_b_ref, dinv_ref, b_ref, w_ref, o_ref):
    dinv = dinv_ref[...]
    h = dinv * (acc_a_ref[...] + acc_b_ref[...]) + b_ref[...]
    h = jnp.maximum(h, 0.0)
    o_ref[...] = dinv * jnp.dot(h, w_ref[...], preferred_element_type=jnp.float32)


_t2 = pl.pallas_call(
    _t2_body,
    grid=(N_NODES // BLK,),
    in_specs=[
        pl.BlockSpec((BLK, NF), lambda i: (i, 0)),
        pl.BlockSpec((BLK, NF), lambda i: (i, 0)),
        pl.BlockSpec((BLK, 1), lambda i: (i, 0)),
        pl.BlockSpec((1, NF), lambda i: (0, 0)),
        pl.BlockSpec((NF, NF), lambda i: (0, 0)),
    ],
    out_specs=pl.BlockSpec((BLK, NF), lambda i: (i, 0)),
    out_shape=jax.ShapeDtypeStruct((N_NODES, NF), jnp.float32),
)


def _t3_body(acc_a_ref, acc_b_ref, dinv_ref, b_ref, wc_ref, bc_ref, o_ref):
    h = dinv_ref[...] * (acc_a_ref[...] + acc_b_ref[...]) + b_ref[...]
    h = jnp.maximum(h, 0.0)
    o_ref[...] = jnp.dot(h, wc_ref[...], preferred_element_type=jnp.float32) + bc_ref[...]


_t3 = pl.pallas_call(
    _t3_body,
    grid=(N_NODES // BLK,),
    in_specs=[
        pl.BlockSpec((BLK, NF), lambda i: (i, 0)),
        pl.BlockSpec((BLK, NF), lambda i: (i, 0)),
        pl.BlockSpec((BLK, 1), lambda i: (i, 0)),
        pl.BlockSpec((1, NF), lambda i: (0, 0)),
        pl.BlockSpec((NF, NCLS), lambda i: (0, 0)),
        pl.BlockSpec((1, NCLS), lambda i: (0, 0)),
    ],
    out_specs=pl.BlockSpec((BLK, NCLS), lambda i: (i, 0)),
    out_shape=jax.ShapeDtypeStruct((N_NODES, NCLS), jnp.float32),
)


def _pad_nodes(a):
    return jnp.pad(a, ((0, N_PAD - N_NODES), (0, 0)))


def kernel(x, edge_index, W1, b1, W2, b2, Wc, bc):
    pad_tgt = jnp.tile(jnp.arange(N_NODES, N_PAD, dtype=jnp.int32),
                       (E_PAD - N_EDGES) // (N_PAD - N_NODES))
    row = jnp.concatenate([edge_index[0].astype(jnp.int32), pad_tgt])
    col = jnp.concatenate([edge_index[1].astype(jnp.int32), pad_tgt])
    row2d = row.reshape(NW * DEG_CPT, DEG_CH)
    col2d = col.reshape(NW * DEG_CPT, DEG_CH)
    ones16 = jnp.ones((DEG_CH, DEGW), jnp.float32)
    zeros16 = jnp.zeros((N_PAD, DEGW), jnp.float32)
    zerosf = jnp.zeros((N_PAD, NF), jnp.float32)

    deg_parts = _deg_kernel(col2d, ones16, zeros16)
    deg = deg_parts[0, :N_NODES, 0] + deg_parts[1, :N_NODES, 0] + 1.0
    dinv = jax.lax.rsqrt(deg).reshape(N_NODES, 1)

    g1 = _pad_nodes(_t1(x, W1, dinv))
    acc1 = _agg_kernel(g1, row2d, col2d, zerosf)
    g2 = _pad_nodes(
        _t2(acc1[0, :N_NODES], acc1[1, :N_NODES], dinv, b1.reshape(1, NF), W2))
    acc2 = _agg_kernel(g2, row2d, col2d, zerosf)
    out = _t3(acc2[0, :N_NODES], acc2[1, :N_NODES], dinv,
              b2.reshape(1, NF), Wc, bc.reshape(1, NCLS))
    return out

# --- scband reference (transcript-rebuilt; emitter-appended) ---
"""Pipeline reference for scband-gcn-57286273794678 (READ-ONLY COPY).

The authoritative reference and input builder live on the scoring server;
editing this copy changes nothing except your own understanding.
"""

import jax, jax.numpy as jnp
import numpy as np

N_NODES = 10000
N_EDGES = 320000
NFEAT = 128
NHID = 128
NCLS = 40


def setup_inputs(seed: int = 0) -> dict:
    key = jax.random.key(seed)
    k1, k2, k3, k4, k5, k6, k7, k8 = jax.random.split(key, 8)
    x = jax.random.normal(k1, (N_NODES, NFEAT), dtype=jnp.float32)
    edge_index = jax.random.randint(k2, (2, N_EDGES), 0, N_NODES, dtype=jnp.int64)
    s1 = 1.0 / np.sqrt(NFEAT)
    s2 = 1.0 / np.sqrt(NHID)
    W1 = jax.random.uniform(k3, (NFEAT, NHID), minval=-s1, maxval=s1, dtype=jnp.float32)
    b1 = jnp.zeros((NHID,), dtype=jnp.float32)
    W2 = jax.random.uniform(k4, (NHID, NHID), minval=-s2, maxval=s2, dtype=jnp.float32)
    b2 = jnp.zeros((NHID,), dtype=jnp.float32)
    Wc = jax.random.uniform(k5, (NHID, NCLS), minval=-s2, maxval=s2, dtype=jnp.float32)
    bc = jax.random.uniform(k6, (NCLS,), minval=-s2, maxval=s2, dtype=jnp.float32)
    return {"x": x, "edge_index": edge_index, "W1": W1, "b1": b1, "W2": W2, "b2": b2, "Wc": Wc, "bc": bc}


def _gcn_conv(x, row, col, norm, W, b, n_nodes):
    # x' = A_hat x W + b  (PyG GCNConv with add_self_loops=True, already folded into row/col/norm)
    h = x @ W
    msgs = norm[:, None] * jnp.take(h, row, axis=0)
    out = jax.ops.segment_sum(msgs, col, num_segments=n_nodes)
    return out + b


def _gcn_norm(edge_index, n_nodes):
    row = edge_index[0]
    col = edge_index[1]
    loop = jnp.arange(n_nodes, dtype=row.dtype)
    row = jnp.concatenate([row, loop])
    col = jnp.concatenate([col, loop])
    ew = jnp.ones(row.shape[0], dtype=jnp.float32)
    deg = jax.ops.segment_sum(ew, col, num_segments=n_nodes)
    deg_inv_sqrt = jnp.where(deg > 0, 1.0 / jnp.sqrt(deg), 0.0)
    norm = deg_inv_sqrt[row] * deg_inv_sqrt[col]
    return row, col, norm


def reference(x, edge_index, W1, b1, W2, b2, Wc, bc):
    n_nodes = x.shape[0]
    row, col, norm = _gcn_norm(edge_index, n_nodes)
    h = _gcn_conv(x, row, col, norm, W1, b1, n_nodes)
    h = jax.nn.relu(h)
    h = _gcn_conv(h, row, col, norm, W2, b2, n_nodes)
    h = jax.nn.relu(h)
    out = h @ Wc + bc
    return out

if __name__ == "__main__":
    import jax
    _d = setup_inputs()
    print(jax.jit(kernel)(*tuple(_d.values())))

</pallas_src>

<mosaic_0001>
#map = affine_map<(d0, d1) -> (0, 0)>
#map1 = affine_map<(d0, d1) -> (0, 0, 0)>
module attributes {stable_mosaic.version = 14 : i64} {
  func.func @_deg_kernel(%arg0: i32, %arg1: i32, %arg2: memref<2560x128xi32, #tpu.memory_space<hbm>>, %arg3: memref<128x16xf32, #tpu.memory_space<hbm>>, %arg4: memref<10240x16xf32, #tpu.memory_space<hbm>>, %arg5: memref<2x10240x16xf32, #tpu.memory_space<hbm>>, %arg6: memref<80x128xi32, #tpu.memory_space<vmem>>, %arg7: memref<128x16xf32, #tpu.memory_space<vmem>>, %arg8: memref<10240x16xf32, #tpu.memory_space<vmem_shared>>) attributes {dimension_semantics = [#tpu.dimension_semantics<core_parallel>, #tpu.dimension_semantics<subcore_parallel>], iteration_bounds = array<i64: 2, 16>, scalar_prefetch = 0 : i64, scratch_operands = 3 : i64, tpu.core_type = #tpu.core_type<sc_vector_subcore>, window_params = [{transform_indices = #map}, {transform_indices = #map}, {transform_indices = #map}, {transform_indices = #map1}]} {
    %mul3A = arith.constant 16 : i32
    %mul3A_0 = arith.muli %arg0, %mul3A : i32
    %add3A = arith.addi %mul3A_0, %arg1 : i32
    %mul3A_1 = arith.constant 640 : i32
    %mul3A_2 = arith.muli %arg1, %mul3A_1 : i32
    "tpu.region"() ({
      %run_scoped3A = tpu.sem_alloc : memref<!tpu.dma_semaphore, #tpu.memory_space<semaphore_mem>>
      tpu.enqueue_dma source(%arg3 : memref<128x16xf32, #tpu.memory_space<hbm>>) target(%arg7 : memref<128x16xf32, #tpu.memory_space<vmem>>) target_semaphore(%run_scoped3A : memref<!tpu.dma_semaphore, #tpu.memory_space<semaphore_mem>>)
      tpu.wait_dma2 semaphore(%run_scoped3A : memref<!tpu.dma_semaphore, #tpu.memory_space<semaphore_mem>>) src(%arg3 : memref<128x16xf32, #tpu.memory_space<hbm>>) dst(%arg7 : memref<128x16xf32, #tpu.memory_space<vmem>>)
      tpu.yield
    }) : () -> ()
    %mul3A_3 = arith.constant 80 : i32
    %mul3A_4 = arith.muli %add3A, %mul3A_3 : i32
    "tpu.region"() ({
      %run_scoped3A = tpu.sem_alloc : memref<!tpu.dma_semaphore, #tpu.memory_space<semaphore_mem>>
      %dma_start3A = arith.constant 0 : i32
      %dma_start3A_11 = tpu.memref_slice %arg2[%mul3A_4, %dma_start3A] : memref<2560x128xi32, #tpu.memory_space<hbm>> -> memref<80x128xi32, #tpu.memory_space<hbm>>
      %dma_start3A_12 = arith.constant 0 : i32
      %dma_start3A_13 = tpu.memref_slice %arg2[%mul3A_4, %dma_start3A_12] : memref<2560x128xi32, #tpu.memory_space<hbm>> -> memref<80x128xi32, #tpu.memory_space<hbm>>
      tpu.enqueue_dma source(%dma_start3A_13 : memref<80x128xi32, #tpu.memory_space<hbm>>) target(%arg6 : memref<80x128xi32, #tpu.memory_space<vmem>>) target_semaphore(%run_scoped3A : memref<!tpu.dma_semaphore, #tpu.memory_space<semaphore_mem>>)
      %dma_wait3A = arith.constant 0 : i32
      %dma_wait3A_14 = tpu.memref_slice %arg2[%mul3A_4, %dma_wait3A] : memref<2560x128xi32, #tpu.memory_space<hbm>> -> memref<80x128xi32, #tpu.memory_space<hbm>>
      %dma_wait3A_15 = arith.constant 0 : i32
      %dma_wait3A_16 = tpu.memref_slice %arg2[%mul3A_4, %dma_wait3A_15] : memref<2560x128xi32, #tpu.memory_space<hbm>> -> memref<80x128xi32, #tpu.memory_space<hbm>>
      tpu.wait_dma2 semaphore(%run_scoped3A : memref<!tpu.dma_semaphore, #tpu.memory_space<semaphore_mem>>) src(%dma_wait3A_16 : memref<80x128xi32, #tpu.memory_space<hbm>>) dst(%arg6 : memref<80x128xi32, #tpu.memory_space<vmem>>)
      tpu.yield
    }) : () -> ()
    "tpu.region"() ({
      %run_scoped3A = tpu.sem_alloc : memref<!tpu.dma_semaphore, #tpu.memory_space<semaphore_mem>>
      %dma_start3A = arith.constant 0 : i32
      %dma_start3A_11 = tpu.memref_slice %arg8[%mul3A_2, %dma_start3A] : memref<10240x16xf32, #tpu.memory_space<vmem_shared>> -> memref<640x16xf32, #tpu.memory_space<vmem_shared>>
      %dma_start3A_12 = arith.constant 0 : i32
      %dma_start3A_13 = tpu.memref_slice %arg4[%mul3A_2, %dma_start3A_12] : memref<10240x16xf32, #tpu.memory_space<hbm>> -> memref<640x16xf32, #tpu.memory_space<hbm>>
      tpu.enqueue_dma source(%dma_start3A_13 : memref<640x16xf32, #tpu.memory_space<hbm>>) target(%dma_start3A_11 : memref<640x16xf32, #tpu.memory_space<vmem_shared>>) target_semaphore(%run_scoped3A : memref<!tpu.dma_semaphore, #tpu.memory_space<semaphore_mem>>)
      %dma_wait3A = arith.constant 0 : i32
      %dma_wait3A_14 = tpu.memref_slice %arg8[%mul3A_2, %dma_wait3A] : memref<10240x16xf32, #tpu.memory_space<vmem_shared>> -> memref<640x16xf32, #tpu.memory_space<vmem_shared>>
      %dma_wait3A_15 = arith.constant 0 : i32
      %dma_wait3A_16 = tpu.memref_slice %arg4[%mul3A_2, %dma_wait3A_15] : memref<10240x16xf32, #tpu.memory_space<hbm>> -> memref<640x16xf32, #tpu.memory_space<hbm>>
      tpu.wait_dma2 semaphore(%run_scoped3A : memref<!tpu.dma_semaphore, #tpu.memory_space<semaphore_mem>>) src(%dma_wait3A_16 : memref<640x16xf32, #tpu.memory_space<hbm>>) dst(%dma_wait3A_14 : memref<640x16xf32, #tpu.memory_space<vmem_shared>>)
      tpu.yield
    }) : () -> ()
    %barrier3A = arith.constant 0 : index
    tpu.barrier barrier_id(%barrier3A)
    %scan3A = arith.constant 0 : i32
    %scan3A_5 = arith.constant 0 : i32
    %scan3A_6 = arith.constant 80 : i32
    %scan3A_7 = arith.addi %scan3A_5, %scan3A_6 : i32
    %scan3A_8 = arith.constant 1 : i32
    scf.for %scan3A_11 = %scan3A_5 to %scan3A_7 step %scan3A_8  : i32 {
      "tpu.region"() ({
        %run_scoped3A = tpu.sem_alloc : memref<!tpu.dma_semaphore, #tpu.memory_space<semaphore_mem>>
        %dma_start3A = arith.constant 0 : i32
        %dma_start3A_12 = tpu.memref_slice %arg6[%scan3A_11, %dma_start3A] : memref<80x128xi32, #tpu.memory_space<vmem>> -> memref<1x128xi32, #tpu.memory_space<vmem>>
        %dma_start3A_13 = tpu.memref_squeeze %dma_start3A_12 : memref<1x128xi32, #tpu.memory_space<vmem>> -> memref<128xi32, #tpu.memory_space<vmem>>
        %dma_start3A_14 = arith.constant 0 : i32
        %dma_start3A_15 = arith.constant 0 : i32
        %dma_start3A_16 = tpu.memref_slice %arg8[%dma_start3A_14, %dma_start3A_15] : memref<10240x16xf32, #tpu.memory_space<vmem_shared>> -> memref<10240x16xf32, #tpu.memory_space<vmem_shared>>
        tpu.enqueue_indirect_dma source(%arg7 : memref<128x16xf32, #tpu.memory_space<vmem>>) target(%dma_start3A_16 : memref<10240x16xf32, #tpu.memory_space<vmem_shared>>) offsets(%dma_start3A_13 : memref<128xi32, #tpu.memory_space<vmem>>) semaphore(%run_scoped3A : memref<!tpu.dma_semaphore, #tpu.memory_space<semaphore_mem>>) {add = true}
        %dma_wait3A = arith.constant 0 : i32
        %dma_wait3A_17 = tpu.memref_slice %arg6[%scan3A_11, %dma_wait3A] : memref<80x128xi32, #tpu.memory_space<vmem>> -> memref<1x128xi32, #tpu.memory_space<vmem>>
        %dma_wait3A_18 = tpu.memref_squeeze %dma_wait3A_17 : memref<1x128xi32, #tpu.memory_space<vmem>> -> memref<128xi32, #tpu.memory_space<vmem>>
        %dma_wait3A_19 = arith.constant 0 : i32
        %dma_wait3A_20 = arith.constant 0 : i32
        %dma_wait3A_21 = tpu.memref_slice %arg8[%dma_wait3A_19, %dma_wait3A_20] : memref<10240x16xf32, #tpu.memory_space<vmem_shared>> -> memref<10240x16xf32, #tpu.memory_space<vmem_shared>>
        tpu.wait_indirect_dma semaphore(%run_scoped3A : memref<!tpu.dma_semaphore, #tpu.memory_space<semaphore_mem>>) src(%arg7 : memref<128x16xf32, #tpu.memory_space<vmem>>) dst(%dma_wait3A_21 : memref<10240x16xf32, #tpu.memory_space<vmem_shared>>)
        tpu.yield
      }) : () -> ()
    }
    %scan3A_9 = arith.constant 80 : i32
    %barrier3A_10 = arith.constant 0 : index
    tpu.barrier barrier_id(%barrier3A_10)
    "tpu.region"() ({
      %run_scoped3A = tpu.sem_alloc : memref<!tpu.dma_semaphore, #tpu.memory_space<semaphore_mem>>
      %dma_start3A = arith.constant 0 : i32
      %dma_start3A_11 = tpu.memref_slice %arg5[%arg0, %mul3A_2, %dma_start3A] : memref<2x10240x16xf32, #tpu.memory_space<hbm>> -> memref<1x640x16xf32, #tpu.memory_space<hbm>>
      %dma_start3A_12 = tpu.memref_squeeze %dma_start3A_11 : memref<1x640x16xf32, #tpu.memory_space<hbm>> -> memref<640x16xf32, #tpu.memory_space<hbm>>
      %dma_start3A_13 = arith.constant 0 : i32
      %dma_start3A_14 = tpu.memref_slice %arg8[%mul3A_2, %dma_start3A_13] : memref<10240x16xf32, #tpu.memory_space<vmem_shared>> -> memref<640x16xf32, #tpu.memory_space<vmem_shared>>
      tpu.enqueue_dma source(%dma_start3A_14 : memref<640x16xf32, #tpu.memory_space<vmem_shared>>) target(%dma_start3A_12 : memref<640x16xf32, #tpu.memory_space<hbm>>) target_semaphore(%run_scoped3A : memref<!tpu.dma_semaphore, #tpu.memory_space<semaphore_mem>>)
      %dma_wait3A = arith.constant 0 : i32
      %dma_wait3A_15 = tpu.memref_slice %arg5[%arg0, %mul3A_2, %dma_wait3A] : memref<2x10240x16xf32, #tpu.memory_space<hbm>> -> memref<1x640x16xf32, #tpu.memory_space<hbm>>
      %dma_wait3A_16 = tpu.memref_squeeze %dma_wait3A_15 : memref<1x640x16xf32, #tpu.memory_space<hbm>> -> memref<640x16xf32, #tpu.memory_space<hbm>>
      %dma_wait3A_17 = arith.constant 0 : i32
      %dma_wait3A_18 = tpu.memref_slice %arg8[%mul3A_2, %dma_wait3A_17] : memref<10240x16xf32, #tpu.memory_space<vmem_shared>> -> memref<640x16xf32, #tpu.memory_space<vmem_shared>>
      tpu.wait_dma2 semaphore(%run_scoped3A : memref<!tpu.dma_semaphore, #tpu.memory_space<semaphore_mem>>) src(%dma_wait3A_18 : memref<640x16xf32, #tpu.memory_space<vmem_shared>>) dst(%dma_wait3A_16 : memref<640x16xf32, #tpu.memory_space<hbm>>)
      tpu.yield
    }) : () -> ()
    return
  }
}

#map = affine_map<(d0, d1) -> (0, 0)>
#map1 = affine_map<(d0, d1) -> (0, 0, 0)>
module attributes {stable_mosaic.version = 14 : i64} {
  func.func @_agg_kernel(%arg0: i32, %arg1: i32, %arg2: memref<10240x128xf32, #tpu.memory_space<hbm>>, %arg3: memref<2560x128xi32, #tpu.memory_space<hbm>>, %arg4: memref<2560x128xi32, #tpu.memory_space<hbm>>, %arg5: memref<10240x128xf32, #tpu.memory_space<hbm>>, %arg6: memref<2x10240x128xf32, #tpu.memory_space<hbm>>, %arg7: memref<40x128xi32, #tpu.memory_space<vmem>>, %arg8: memref<40x128xi32, #tpu.memory_space<vmem>>, %arg9: memref<128x128xf32, #tpu.memory_space<vmem>>, %arg10: memref<128x128xf32, #tpu.memory_space<vmem>>, %arg11: memref<!tpu.dma_semaphore, #tpu.memory_space<semaphore_mem>>, %arg12: memref<!tpu.dma_semaphore, #tpu.memory_space<semaphore_mem>>, %arg13: memref<10240x128xf32, #tpu.memory_space<vmem_shared>>) attributes {dimension_semantics = [#tpu.dimension_semantics<core_parallel>, #tpu.dimension_semantics<subcore_parallel>], iteration_bounds = array<i64: 2, 16>, scalar_prefetch = 0 : i64, scratch_operands = 7 : i64, tpu.core_type = #tpu.core_type<sc_vector_subcore>, window_params = [{transform_indices = #map}, {transform_indices = #map}, {transform_indices = #map}, {transform_indices = #map}, {transform_indices = #map1}]} {
    %mul3A = arith.constant 16 : i32
    %mul3A_0 = arith.muli %arg0, %mul3A : i32
    %add3A = arith.addi %mul3A_0, %arg1 : i32
    %mul3A_1 = arith.constant 640 : i32
    %mul3A_2 = arith.muli %arg1, %mul3A_1 : i32
    %eq3A = arith.constant 0 : i32
    %eq3A_3 = arith.cmpi eq, %arg0, %eq3A : i32
    %convert_element_type3A = arith.extui %eq3A_3 : i1 to i32
    %cond3A = arith.constant 0 : i32
    %cond3A_4 = arith.cmpi ne, %convert_element_type3A, %cond3A : i32
    scf.if %cond3A_4 {
      "tpu.region"() ({
        %run_scoped3A = tpu.sem_alloc : memref<!tpu.dma_semaphore, #tpu.memory_space<semaphore_mem>>
        %dma_start3A = arith.constant 0 : i32
        %dma_start3A_29 = tpu.memref_slice %arg13[%mul3A_2, %dma_start3A] : memref<10240x128xf32, #tpu.memory_space<vmem_shared>> -> memref<640x128xf32, #tpu.memory_space<vmem_shared>>
        %dma_start3A_30 = arith.constant 0 : i32
        %dma_start3A_31 = tpu.memref_slice %arg2[%mul3A_2, %dma_start3A_30] : memref<10240x128xf32, #tpu.memory_space<hbm>> -> memref<640x128xf32, #tpu.memory_space<hbm>>
        tpu.enqueue_dma source(%dma_start3A_31 : memref<640x128xf32, #tpu.memory_space<hbm>>) target(%dma_start3A_29 : memref<640x128xf32, #tpu.memory_space<vmem_shared>>) target_semaphore(%run_scoped3A : memref<!tpu.dma_semaphore, #tpu.memory_space<semaphore_mem>>)
        %dma_wait3A = arith.constant 0 : i32
        %dma_wait3A_32 = tpu.memref_slice %arg13[%mul3A_2, %dma_wait3A] : memref<10240x128xf32, #tpu.memory_space<vmem_shared>> -> memref<640x128xf32, #tpu.memory_space<vmem_shared>>
        %dma_wait3A_33 = arith.constant 0 : i32
        %dma_wait3A_34 = tpu.memref_slice %arg2[%mul3A_2, %dma_wait3A_33] : memref<10240x128xf32, #tpu.memory_space<hbm>> -> memref<640x128xf32, #tpu.memory_space<hbm>>
        tpu.wait_dma2 semaphore(%run_scoped3A : memref<!tpu.dma_semaphore, #tpu.memory_space<semaphore_mem>>) src(%dma_wait3A_34 : memref<640x128xf32, #tpu.memory_space<hbm>>) dst(%dma_wait3A_32 : memref<640x128xf32, #tpu.memory_space<vmem_shared>>)
        tpu.yield
      }) : () -> ()
    } else {
    }
    %ne3A = arith.constant 0 : i32
    %ne3A_5 = arith.cmpi ne, %arg0, %ne3A : i32
    %convert_element_type3A_6 = arith.extui %ne3A_5 : i1 to i32
    %cond3A_7 = arith.constant 0 : i32
    %cond3A_8 = arith.cmpi ne, %convert_element_type3A_6, %cond3A_7 : i32
    scf.if %cond3A_8 {
      "tpu.region"() ({
        %run_scoped3A = tpu.sem_alloc : memref<!tpu.dma_semaphore, #tpu.memory_space<semaphore_mem>>
        %dma_start3A = arith.constant 0 : i32
        %dma_start3A_29 = tpu.memref_slice %arg13[%mul3A_2, %dma_start3A] : memref<10240x128xf32, #tpu.memory_space<vmem_shared>> -> memref<640x128xf32, #tpu.memory_space<vmem_shared>>
        %dma_start3A_30 = arith.constant 0 : i32
        %dma_start3A_31 = tpu.memref_slice %arg5[%mul3A_2, %dma_start3A_30] : memref<10240x128xf32, #tpu.memory_space<hbm>> -> memref<640x128xf32, #tpu.memory_space<hbm>>
        tpu.enqueue_dma source(%dma_start3A_31 : memref<640x128xf32, #tpu.memory_space<hbm>>) target(%dma_start3A_29 : memref<640x128xf32, #tpu.memory_space<vmem_shared>>) target_semaphore(%run_scoped3A : memref<!tpu.dma_semaphore, #tpu.memory_space<semaphore_mem>>)
        %dma_wait3A = arith.constant 0 : i32
        %dma_wait3A_32 = tpu.memref_slice %arg13[%mul3A_2, %dma_wait3A] : memref<10240x128xf32, #tpu.memory_space<vmem_shared>> -> memref<640x128xf32, #tpu.memory_space<vmem_shared>>
        %dma_wait3A_33 = arith.constant 0 : i32
        %dma_wait3A_34 = tpu.memref_slice %arg5[%mul3A_2, %dma_wait3A_33] : memref<10240x128xf32, #tpu.memory_space<hbm>> -> memref<640x128xf32, #tpu.memory_space<hbm>>
        tpu.wait_dma2 semaphore(%run_scoped3A : memref<!tpu.dma_semaphore, #tpu.memory_space<semaphore_mem>>) src(%dma_wait3A_34 : memref<640x128xf32, #tpu.memory_space<hbm>>) dst(%dma_wait3A_32 : memref<640x128xf32, #tpu.memory_space<vmem_shared>>)
        tpu.yield
      }) : () -> ()
    } else {
    }
    %barrier3A = arith.constant 0 : index
    tpu.barrier barrier_id(%barrier3A)
    %mul3A_9 = arith.constant 80 : i32
    %mul3A_10 = arith.muli %add3A, %mul3A_9 : i32
    %add3A_11 = arith.constant 0 : i32
    %add3A_12 = arith.addi %mul3A_10, %add3A_11 : i32
    "tpu.region"() ({
      %run_scoped3A = tpu.sem_alloc : memref<!tpu.dma_semaphore, #tpu.memory_space<semaphore_mem>>
      %dma_start3A = arith.constant 0 : i32
      %dma_start3A_29 = tpu.memref_slice %arg3[%add3A_12, %dma_start3A] : memref<2560x128xi32, #tpu.memory_space<hbm>> -> memref<40x128xi32, #tpu.memory_space<hbm>>
      %dma_start3A_30 = arith.constant 0 : i32
      %dma_start3A_31 = tpu.memref_slice %arg3[%add3A_12, %dma_start3A_30] : memref<2560x128xi32, #tpu.memory_space<hbm>> -> memref<40x128xi32, #tpu.memory_space<hbm>>
      tpu.enqueue_dma source(%dma_start3A_31 : memref<40x128xi32, #tpu.memory_space<hbm>>) target(%arg7 : memref<40x128xi32, #tpu.memory_space<vmem>>) target_semaphore(%run_scoped3A : memref<!tpu.dma_semaphore, #tpu.memory_space<semaphore_mem>>)
      %dma_wait3A = arith.constant 0 : i32
      %dma_wait3A_32 = tpu.memref_slice %arg3[%add3A_12, %dma_wait3A] : memref<2560x128xi32, #tpu.memory_space<hbm>> -> memref<40x128xi32, #tpu.memory_space<hbm>>
      %dma_wait3A_33 = arith.constant 0 : i32
      %dma_wait3A_34 = tpu.memref_slice %arg3[%add3A_12, %dma_wait3A_33] : memref<2560x128xi32, #tpu.memory_space<hbm>> -> memref<40x128xi32, #tpu.memory_space<hbm>>
      tpu.wait_dma2 semaphore(%run_scoped3A : memref<!tpu.dma_semaphore, #tpu.memory_space<semaphore_mem>>) src(%dma_wait3A_34 : memref<40x128xi32, #tpu.memory_space<hbm>>) dst(%arg7 : memref<40x128xi32, #tpu.memory_space<vmem>>)
      tpu.yield
    }) : () -> ()
    "tpu.region"() ({
      %run_scoped3A = tpu.sem_alloc : memref<!tpu.dma_semaphore, #tpu.memory_space<semaphore_mem>>
      %dma_start3A = arith.constant 0 : i32
      %dma_start3A_29 = tpu.memref_slice %arg4[%add3A_12, %dma_start3A] : memref<2560x128xi32, #tpu.memory_space<hbm>> -> memref<40x128xi32, #tpu.memory_space<hbm>>
      %dma_start3A_30 = arith.constant 0 : i32
      %dma_start3A_31 = tpu.memref_slice %arg4[%add3A_12, %dma_start3A_30] : memref<2560x128xi32, #tpu.memory_space<hbm>> -> memref<40x128xi32, #tpu.memory_space<hbm>>
      tpu.enqueue_dma source(%dma_start3A_31 : memref<40x128xi32, #tpu.memory_space<hbm>>) target(%arg8 : memref<40x128xi32, #tpu.memory_space<vmem>>) target_semaphore(%run_scoped3A : memref<!tpu.dma_semaphore, #tpu.memory_space<semaphore_mem>>)
      %dma_wait3A = arith.constant 0 : i32
      %dma_wait3A_32 = tpu.memref_slice %arg4[%add3A_12, %dma_wait3A] : memref<2560x128xi32, #tpu.memory_space<hbm>> -> memref<40x128xi32, #tpu.memory_space<hbm>>
      %dma_wait3A_33 = arith.constant 0 : i32
      %dma_wait3A_34 = tpu.memref_slice %arg4[%add3A_12, %dma_wait3A_33] : memref<2560x128xi32, #tpu.memory_space<hbm>> -> memref<40x128xi32, #tpu.memory_space<hbm>>
      tpu.wait_dma2 semaphore(%run_scoped3A : memref<!tpu.dma_semaphore, #tpu.memory_space<semaphore_mem>>) src(%dma_wait3A_34 : memref<40x128xi32, #tpu.memory_space<hbm>>) dst(%arg8 : memref<40x128xi32, #tpu.memory_space<vmem>>)
      tpu.yield
    }) : () -> ()
    %scan3A = arith.constant 0 : i32
    %scan3A_13 = arith.constant 0 : i32
    %scan3A_14 = arith.constant 20 : i32
    %scan3A_15 = arith.addi %scan3A_13, %scan3A_14 : i32
    %scan3A_16 = arith.constant 1 : i32
    scf.for %scan3A_29 = %scan3A_13 to %scan3A_15 step %scan3A_16  : i32 {
      %mul3A_30 = arith.constant 2 : i32
      %mul3A_31 = arith.muli %mul3A_30, %scan3A_29 : i32
      %dma_start3A = arith.constant 0 : i32
      %dma_start3A_32 = tpu.memref_slice %arg7[%mul3A_31, %dma_start3A] : memref<40x128xi32, #tpu.memory_space<vmem>> -> memref<1x128xi32, #tpu.memory_space<vmem>>
      %dma_start3A_33 = tpu.memref_squeeze %dma_start3A_32 : memref<1x128xi32, #tpu.memory_space<vmem>> -> memref<128xi32, #tpu.memory_space<vmem>>
      %dma_start3A_34 = arith.constant 0 : i32
      %dma_start3A_35 = arith.constant 0 : i32
      %dma_start3A_36 = tpu.memref_slice %arg2[%dma_start3A_34, %dma_start3A_35] : memref<10240x128xf32, #tpu.memory_space<hbm>> -> memref<10240x128xf32, #tpu.memory_space<hbm>>
      tpu.enqueue_indirect_dma source(%dma_start3A_36 : memref<10240x128xf32, #tpu.memory_space<hbm>>) target(%arg9 : memref<128x128xf32, #tpu.memory_space<vmem>>) offsets(%dma_start3A_33 : memref<128xi32, #tpu.memory_space<vmem>>) semaphore(%arg11 : memref<!tpu.dma_semaphore, #tpu.memory_space<semaphore_mem>>)
      %add3A_37 = arith.constant 1 : i32
      %add3A_38 = arith.addi %mul3A_31, %add3A_37 : i32
      %dma_start3A_39 = arith.constant 0 : i32
      %dma_start3A_40 = tpu.memref_slice %arg7[%add3A_38, %dma_start3A_39] : memref<40x128xi32, #tpu.memory_space<vmem>> -> memref<1x128xi32, #tpu.memory_space<vmem>>
      %dma_start3A_41 = tpu.memref_squeeze %dma_start3A_40 : memref<1x128xi32, #tpu.memory_space<vmem>> -> memref<128xi32, #tpu.memory_space<vmem>>
      %dma_start3A_42 = arith.constant 0 : i32
      %dma_start3A_43 = arith.constant 0 : i32
      %dma_start3A_44 = tpu.memref_slice %arg2[%dma_start3A_42, %dma_start3A_43] : memref<10240x128xf32, #tpu.memory_space<hbm>> -> memref<10240x128xf32, #tpu.memory_space<hbm>>
      tpu.enqueue_indirect_dma source(%dma_start3A_44 : memref<10240x128xf32, #tpu.memory_space<hbm>>) target(%arg10 : memref<128x128xf32, #tpu.memory_space<vmem>>) offsets(%dma_start3A_41 : memref<128xi32, #tpu.memory_space<vmem>>) semaphore(%arg12 : memref<!tpu.dma_semaphore, #tpu.memory_space<semaphore_mem>>)
      %dma_wait3A = arith.constant 0 : i32
      %dma_wait3A_45 = tpu.memref_slice %arg7[%mul3A_31, %dma_wait3A] : memref<40x128xi32, #tpu.memory_space<vmem>> -> memref<1x128xi32, #tpu.memory_space<vmem>>
      %dma_wait3A_46 = tpu.memref_squeeze %dma_wait3A_45 : memref<1x128xi32, #tpu.memory_space<vmem>> -> memref<128xi32, #tpu.memory_space<vmem>>
      %dma_wait3A_47 = arith.constant 0 : i32
      %dma_wait3A_48 = arith.constant 0 : i32
      %dma_wait3A_49 = tpu.memref_slice %arg2[%dma_wait3A_47, %dma_wait3A_48] : memref<10240x128xf32, #tpu.memory_space<hbm>> -> memref<10240x128xf32, #tpu.memory_space<hbm>>
      tpu.wait_indirect_dma semaphore(%arg11 : memref<!tpu.dma_semaphore, #tpu.memory_space<semaphore_mem>>) src(%dma_wait3A_49 : memref<10240x128xf32, #tpu.memory_space<hbm>>) dst(%arg9 : memref<128x128xf32, #tpu.memory_space<vmem>>)
      "tpu.region"() ({
        %run_scoped3A = tpu.sem_alloc : memref<!tpu.dma_semaphore, #tpu.memory_space<semaphore_mem>>
        %dma_start3A_58 = arith.constant 0 : i32
        %dma_start3A_59 = tpu.memref_slice %arg8[%mul3A_31, %dma_start3A_58] : memref<40x128xi32, #tpu.memory_space<vmem>> -> memref<1x128xi32, #tpu.memory_space<vmem>>
        %dma_start3A_60 = tpu.memref_squeeze %dma_start3A_59 : memref<1x128xi32, #tpu.memory_space<vmem>> -> memref<128xi32, #tpu.memory_space<vmem>>
        %dma_start3A_61 = arith.constant 0 : i32
        %dma_start3A_62 = arith.constant 0 : i32
        %dma_start3A_63 = tpu.memref_slice %arg13[%dma_start3A_61, %dma_start3A_62] : memref<10240x128xf32, #tpu.memory_space<vmem_shared>> -> memref<10240x128xf32, #tpu.memory_space<vmem_shared>>
        tpu.enqueue_indirect_dma source(%arg9 : memref<128x128xf32, #tpu.memory_space<vmem>>) target(%dma_start3A_63 : memref<10240x128xf32, #tpu.memory_space<vmem_shared>>) offsets(%dma_start3A_60 : memref<128xi32, #tpu.memory_space<vmem>>) semaphore(%run_scoped3A : memref<!tpu.dma_semaphore, #tpu.memory_space<semaphore_mem>>) {add = true}
        %dma_wait3A_64 = arith.constant 0 : i32
        %dma_wait3A_65 = tpu.memref_slice %arg8[%mul3A_31, %dma_wait3A_64] : memref<40x128xi32, #tpu.memory_space<vmem>> -> memref<1x128xi32, #tpu.memory_space<vmem>>
        %dma_wait3A_66 = tpu.memref_squeeze %dma_wait3A_65 : memref<1x128xi32, #tpu.memory_space<vmem>> -> memref<128xi32, #tpu.memory_space<vmem>>
        %dma_wait3A_67 = arith.constant 0 : i32
        %dma_wait3A_68 = arith.constant 0 : i32
        %dma_wait3A_69 = tpu.memref_slice %arg13[%dma_wait3A_67, %dma_wait3A_68] : memref<10240x128xf32, #tpu.memory_space<vmem_shared>> -> memref<10240x128xf32, #tpu.memory_space<vmem_shared>>
        tpu.wait_indirect_dma semaphore(%run_scoped3A : memref<!tpu.dma_semaphore, #tpu.memory_space<semaphore_mem>>) src(%arg9 : memref<128x128xf32, #tpu.memory_space<vmem>>) dst(%dma_wait3A_69 : memref<10240x128xf32, #tpu.memory_space<vmem_shared>>)
        tpu.yield
      }) : () -> ()
      %dma_wait3A_50 = arith.constant 0 : i32
      %dma_wait3A_51 = tpu.memref_slice %arg7[%add3A_38, %dma_wait3A_50] : memref<40x128xi32, #tpu.memory_space<vmem>> -> memref<1x128xi32, #tpu.memory_space<vmem>>
      %dma_wait3A_52 = tpu.memref_squeeze %dma_wait3A_51 : memref<1x128xi32, #tpu.memory_space<vmem>> -> memref<128xi32, #tpu.memory_space<vmem>>
      %dma_wait3A_53 = arith.constant 0 : i32
      %dma_wait3A_54 = arith.constant 0 : i32
      %dma_wait3A_55 = tpu.memref_slice %arg2[%dma_wait3A_53, %dma_wait3A_54] : memref<10240x128xf32, #tpu.memory_space<hbm>> -> memref<10240x128xf32, #tpu.memory_space<hbm>>
      tpu.wait_indirect_dma semaphore(%arg12 : memref<!tpu.dma_semaphore, #tpu.memory_space<semaphore_mem>>) src(%dma_wait3A_55 : memref<10240x128xf32, #tpu.memory_space<hbm>>) dst(%arg10 : memref<128x128xf32, #tpu.memory_space<vmem>>)
      %add3A_56 = arith.constant 1 : i32
      %add3A_57 = arith.addi %mul3A_31, %add3A_56 : i32
      "tpu.region"() ({
        %run_scoped3A = tpu.sem_alloc : memref<!tpu.dma_semaphore, #tpu.memory_space<semaphore_mem>>
        %dma_start3A_58 = arith.constant 0 : i32
        %dma_start3A_59 = tpu.memref_slice %arg8[%add3A_57, %dma_start3A_58] : memref<40x128xi32, #tpu.memory_space<vmem>> -> memref<1x128xi32, #tpu.memory_space<vmem>>
        %dma_start3A_60 = tpu.memref_squeeze %dma_start3A_59 : memref<1x128xi32, #tpu.memory_space<vmem>> -> memref<128xi32, #tpu.memory_space<vmem>>
        %dma_start3A_61 = arith.constant 0 : i32
        %dma_start3A_62 = arith.constant 0 : i32
        %dma_start3A_63 = tpu.memref_slice %arg13[%dma_start3A_61, %dma_start3A_62] : memref<10240x128xf32, #tpu.memory_space<vmem_shared>> -> memref<10240x128xf32, #tpu.memory_space<vmem_shared>>
        tpu.enqueue_indirect_dma source(%arg10 : memref<128x128xf32, #tpu.memory_space<vmem>>) target(%dma_start3A_63 : memref<10240x128xf32, #tpu.memory_space<vmem_shared>>) offsets(%dma_start3A_60 : memref<128xi32, #tpu.memory_space<vmem>>) semaphore(%run_scoped3A : memref<!tpu.dma_semaphore, #tpu.memory_space<semaphore_mem>>) {add = true}
        %dma_wait3A_64 = arith.constant 0 : i32
        %dma_wait3A_65 = tpu.memref_slice %arg8[%add3A_57, %dma_wait3A_64] : memref<40x128xi32, #tpu.memory_space<vmem>> -> memref<1x128xi32, #tpu.memory_space<vmem>>
        %dma_wait3A_66 = tpu.memref_squeeze %dma_wait3A_65 : memref<1x128xi32, #tpu.memory_space<vmem>> -> memref<128xi32, #tpu.memory_space<vmem>>
        %dma_wait3A_67 = arith.constant 0 : i32
        %dma_wait3A_68 = arith.constant 0 : i32
        %dma_wait3A_69 = tpu.memref_slice %arg13[%dma_wait3A_67, %dma_wait3A_68] : memref<10240x128xf32, #tpu.memory_space<vmem_shared>> -> memref<10240x128xf32, #tpu.memory_space<vmem_shared>>
        tpu.wait_indirect_dma semaphore(%run_scoped3A : memref<!tpu.dma_semaphore, #tpu.memory_space<semaphore_mem>>) src(%arg10 : memref<128x128xf32, #tpu.memory_space<vmem>>) dst(%dma_wait3A_69 : memref<10240x128xf32, #tpu.memory_space<vmem_shared>>)
        tpu.yield
      }) : () -> ()
    }
    %scan3A_17 = arith.constant 20 : i32
    %mul3A_18 = arith.constant 80 : i32
    %mul3A_19 = arith.muli %add3A, %mul3A_18 : i32
    %add3A_20 = arith.constant 40 : i32
    %add3A_21 = arith.addi %mul3A_19, %add3A_20 : i32
    "tpu.region"() ({
      %run_scoped3A = tpu.sem_alloc : memref<!tpu.dma_semaphore, #tpu.memory_space<semaphore_mem>>
      %dma_start3A = arith.constant 0 : i32
      %dma_start3A_29 = tpu.memref_slice %arg3[%add3A_21, %dma_start3A] : memref<2560x128xi32, #tpu.memory_space<hbm>> -> memref<40x128xi32, #tpu.memory_space<hbm>>
      %dma_start3A_30 = arith.constant 0 : i32
      %dma_start3A_31 = tpu.memref_slice %arg3[%add3A_21, %dma_start3A_30] : memref<2560x128xi32, #tpu.memory_space<hbm>> -> memref<40x128xi32, #tpu.memory_space<hbm>>
      tpu.enqueue_dma source(%dma_start3A_31 : memref<40x128xi32, #tpu.memory_space<hbm>>) target(%arg7 : memref<40x128xi32, #tpu.memory_space<vmem>>) target_semaphore(%run_scoped3A : memref<!tpu.dma_semaphore, #tpu.memory_space<semaphore_mem>>)
      %dma_wait3A = arith.constant 0 : i32
      %dma_wait3A_32 = tpu.memref_slice %arg3[%add3A_21, %dma_wait3A] : memref<2560x128xi32, #tpu.memory_space<hbm>> -> memref<40x128xi32, #tpu.memory_space<hbm>>
      %dma_wait3A_33 = arith.constant 0 : i32
      %dma_wait3A_34 = tpu.memref_slice %arg3[%add3A_21, %dma_wait3A_33] : memref<2560x128xi32, #tpu.memory_space<hbm>> -> memref<40x128xi32, #tpu.memory_space<hbm>>
      tpu.wait_dma2 semaphore(%run_scoped3A : memref<!tpu.dma_semaphore, #tpu.memory_space<semaphore_mem>>) src(%dma_wait3A_34 : memref<40x128xi32, #tpu.memory_space<hbm>>) dst(%arg7 : memref<40x128xi32, #tpu.memory_space<vmem>>)
      tpu.yield
    }) : () -> ()
    "tpu.region"() ({
      %run_scoped3A = tpu.sem_alloc : memref<!tpu.dma_semaphore, #tpu.memory_space<semaphore_mem>>
      %dma_start3A = arith.constant 0 : i32
      %dma_start3A_29 = tpu.memref_slice %arg4[%add3A_21, %dma_start3A] : memref<2560x128xi32, #tpu.memory_space<hbm>> -> memref<40x128xi32, #tpu.memory_space<hbm>>
      %dma_start3A_30 = arith.constant 0 : i32
      %dma_start3A_31 = tpu.memref_slice %arg4[%add3A_21, %dma_start3A_30] : memref<2560x128xi32, #tpu.memory_space<hbm>> -> memref<40x128xi32, #tpu.memory_space<hbm>>
      tpu.enqueue_dma source(%dma_start3A_31 : memref<40x128xi32, #tpu.memory_space<hbm>>) target(%arg8 : memref<40x128xi32, #tpu.memory_space<vmem>>) target_semaphore(%run_scoped3A : memref<!tpu.dma_semaphore, #tpu.memory_space<semaphore_mem>>)
      %dma_wait3A = arith.constant 0 : i32
      %dma_wait3A_32 = tpu.memref_slice %arg4[%add3A_21, %dma_wait3A] : memref<2560x128xi32, #tpu.memory_space<hbm>> -> memref<40x128xi32, #tpu.memory_space<hbm>>
      %dma_wait3A_33 = arith.constant 0 : i32
      %dma_wait3A_34 = tpu.memref_slice %arg4[%add3A_21, %dma_wait3A_33] : memref<2560x128xi32, #tpu.memory_space<hbm>> -> memref<40x128xi32, #tpu.memory_space<hbm>>
      tpu.wait_dma2 semaphore(%run_scoped3A : memref<!tpu.dma_semaphore, #tpu.memory_space<semaphore_mem>>) src(%dma_wait3A_34 : memref<40x128xi32, #tpu.memory_space<hbm>>) dst(%arg8 : memref<40x128xi32, #tpu.memory_space<vmem>>)
      tpu.yield
    }) : () -> ()
    %scan3A_22 = arith.constant 0 : i32
    %scan3A_23 = arith.constant 0 : i32
    %scan3A_24 = arith.constant 20 : i32
    %scan3A_25 = arith.addi %scan3A_23, %scan3A_24 : i32
    %scan3A_26 = arith.constant 1 : i32
    scf.for %scan3A_29 = %scan3A_23 to %scan3A_25 step %scan3A_26  : i32 {
      %mul3A_30 = arith.constant 2 : i32
      %mul3A_31 = arith.muli %mul3A_30, %scan3A_29 : i32
      %dma_start3A = arith.constant 0 : i32
      %dma_start3A_32 = tpu.memref_slice %arg7[%mul3A_31, %dma_start3A] : memref<40x128xi32, #tpu.memory_space<vmem>> -> memref<1x128xi32, #tpu.memory_space<vmem>>
      %dma_start3A_33 = tpu.memref_squeeze %dma_start3A_32 : memref<1x128xi32, #tpu.memory_space<vmem>> -> memref<128xi32, #tpu.memory_space<vmem>>
      %dma_start3A_34 = arith.constant 0 : i32
      %dma_start3A_35 = arith.constant 0 : i32
      %dma_start3A_36 = tpu.memref_slice %arg2[%dma_start3A_34, %dma_start3A_35] : memref<10240x128xf32, #tpu.memory_space<hbm>> -> memref<10240x128xf32, #tpu.memory_space<hbm>>
      tpu.enqueue_indirect_dma source(%dma_start3A_36 : memref<10240x128xf32, #tpu.memory_space<hbm>>) target(%arg9 : memref<128x128xf32, #tpu.memory_space<vmem>>) offsets(%dma_start3A_33 : memref<128xi32, #tpu.memory_space<vmem>>) semaphore(%arg11 : memref<!tpu.dma_semaphore, #tpu.memory_space<semaphore_mem>>)
      %add3A_37 = arith.constant 1 : i32
      %add3A_38 = arith.addi %mul3A_31, %add3A_37 : i32
      %dma_start3A_39 = arith.constant 0 : i32
      %dma_start3A_40 = tpu.memref_slice %arg7[%add3A_38, %dma_start3A_39] : memref<40x128xi32, #tpu.memory_space<vmem>> -> memref<1x128xi32, #tpu.memory_space<vmem>>
      %dma_start3A_41 = tpu.memref_squeeze %dma_start3A_40 : memref<1x128xi32, #tpu.memory_space<vmem>> -> memref<128xi32, #tpu.memory_space<vmem>>
      %dma_start3A_42 = arith.constant 0 : i32
      %dma_start3A_43 = arith.constant 0 : i32
      %dma_start3A_44 = tpu.memref_slice %arg2[%dma_start3A_42, %dma_start3A_43] : memref<10240x128xf32, #tpu.memory_space<hbm>> -> memref<10240x128xf32, #tpu.memory_space<hbm>>
      tpu.enqueue_indirect_dma source(%dma_start3A_44 : memref<10240x128xf32, #tpu.memory_space<hbm>>) target(%arg10 : memref<128x128xf32, #tpu.memory_space<vmem>>) offsets(%dma_start3A_41 : memref<128xi32, #tpu.memory_space<vmem>>) semaphore(%arg12 : memref<!tpu.dma_semaphore, #tpu.memory_space<semaphore_mem>>)
      %dma_wait3A = arith.constant 0 : i32
      %dma_wait3A_45 = tpu.memref_slice %arg7[%mul3A_31, %dma_wait3A] : memref<40x128xi32, #tpu.memory_space<vmem>> -> memref<1x128xi32, #tpu.memory_space<vmem>>
      %dma_wait3A_46 = tpu.memref_squeeze %dma_wait3A_45 : memref<1x128xi32, #tpu.memory_space<vmem>> -> memref<128xi32, #tpu.memory_space<vmem>>
      %dma_wait3A_47 = arith.constant 0 : i32
      %dma_wait3A_48 = arith.constant 0 : i32
      %dma_wait3A_49 = tpu.memref_slice %arg2[%dma_wait3A_47, %dma_wait3A_48] : memref<10240x128xf32, #tpu.memory_space<hbm>> -> memref<10240x128xf32, #tpu.memory_space<hbm>>
      tpu.wait_indirect_dma semaphore(%arg11 : memref<!tpu.dma_semaphore, #tpu.memory_space<semaphore_mem>>) src(%dma_wait3A_49 : memref<10240x128xf32, #tpu.memory_space<hbm>>) dst(%arg9 : memref<128x128xf32, #tpu.memory_space<vmem>>)
      "tpu.region"() ({
        %run_scoped3A = tpu.sem_alloc : memref<!tpu.dma_semaphore, #tpu.memory_space<semaphore_mem>>
        %dma_start3A_58 = arith.constant 0 : i32
        %dma_start3A_59 = tpu.memref_slice %arg8[%mul3A_31, %dma_start3A_58] : memref<40x128xi32, #tpu.memory_space<vmem>> -> memref<1x128xi32, #tpu.memory_space<vmem>>
        %dma_start3A_60 = tpu.memref_squeeze %dma_start3A_59 : memref<1x128xi32, #tpu.memory_space<vmem>> -> memref<128xi32, #tpu.memory_space<vmem>>
        %dma_start3A_61 = arith.constant 0 : i32
        %dma_start3A_62 = arith.constant 0 : i32
        %dma_start3A_63 = tpu.memref_slice %arg13[%dma_start3A_61, %dma_start3A_62] : memref<10240x128xf32, #tpu.memory_space<vmem_shared>> -> memref<10240x128xf32, #tpu.memory_space<vmem_shared>>
        tpu.enqueue_indirect_dma source(%arg9 : memref<128x128xf32, #tpu.memory_space<vmem>>) target(%dma_start3A_63 : memref<10240x128xf32, #tpu.memory_space<vmem_shared>>) offsets(%dma_start3A_60 : memref<128xi32, #tpu.memory_space<vmem>>) semaphore(%run_scoped3A : memref<!tpu.dma_semaphore, #tpu.memory_space<semaphore_mem>>) {add = true}
        %dma_wait3A_64 = arith.constant 0 : i32
        %dma_wait3A_65 = tpu.memref_slice %arg8[%mul3A_31, %dma_wait3A_64] : memref<40x128xi32, #tpu.memory_space<vmem>> -> memref<1x128xi32, #tpu.memory_space<vmem>>
        %dma_wait3A_66 = tpu.memref_squeeze %dma_wait3A_65 : memref<1x128xi32, #tpu.memory_space<vmem>> -> memref<128xi32, #tpu.memory_space<vmem>>
        %dma_wait3A_67 = arith.constant 0 : i32
        %dma_wait3A_68 = arith.constant 0 : i32
        %dma_wait3A_69 = tpu.memref_slice %arg13[%dma_wait3A_67, %dma_wait3A_68] : memref<10240x128xf32, #tpu.memory_space<vmem_shared>> -> memref<10240x128xf32, #tpu.memory_space<vmem_shared>>
        tpu.wait_indirect_dma semaphore(%run_scoped3A : memref<!tpu.dma_semaphore, #tpu.memory_space<semaphore_mem>>) src(%arg9 : memref<128x128xf32, #tpu.memory_space<vmem>>) dst(%dma_wait3A_69 : memref<10240x128xf32, #tpu.memory_space<vmem_shared>>)
        tpu.yield
      }) : () -> ()
      %dma_wait3A_50 = arith.constant 0 : i32
      %dma_wait3A_51 = tpu.memref_slice %arg7[%add3A_38, %dma_wait3A_50] : memref<40x128xi32, #tpu.memory_space<vmem>> -> memref<1x128xi32, #tpu.memory_space<vmem>>
      %dma_wait3A_52 = tpu.memref_squeeze %dma_wait3A_51 : memref<1x128xi32, #tpu.memory_space<vmem>> -> memref<128xi32, #tpu.memory_space<vmem>>
      %dma_wait3A_53 = arith.constant 0 : i32
      %dma_wait3A_54 = arith.constant 0 : i32
      %dma_wait3A_55 = tpu.memref_slice %arg2[%dma_wait3A_53, %dma_wait3A_54] : memref<10240x128xf32, #tpu.memory_space<hbm>> -> memref<10240x128xf32, #tpu.memory_space<hbm>>
      tpu.wait_indirect_dma semaphore(%arg12 : memref<!tpu.dma_semaphore, #tpu.memory_space<semaphore_mem>>) src(%dma_wait3A_55 : memref<10240x128xf32, #tpu.memory_space<hbm>>) dst(%arg10 : memref<128x128xf32, #tpu.memory_space<vmem>>)
      %add3A_56 = arith.constant 1 : i32
      %add3A_57 = arith.addi %mul3A_31, %add3A_56 : i32
      "tpu.region"() ({
        %run_scoped3A = tpu.sem_alloc : memref<!tpu.dma_semaphore, #tpu.memory_space<semaphore_mem>>
        %dma_start3A_58 = arith.constant 0 : i32
        %dma_start3A_59 = tpu.memref_slice %arg8[%add3A_57, %dma_start3A_58] : memref<40x128xi32, #tpu.memory_space<vmem>> -> memref<1x128xi32, #tpu.memory_space<vmem>>
        %dma_start3A_60 = tpu.memref_squeeze %dma_start3A_59 : memref<1x128xi32, #tpu.memory_space<vmem>> -> memref<128xi32, #tpu.memory_space<vmem>>
        %dma_start3A_61 = arith.constant 0 : i32
        %dma_start3A_62 = arith.constant 0 : i32
        %dma_start3A_63 = tpu.memref_slice %arg13[%dma_start3A_61, %dma_start3A_62] : memref<10240x128xf32, #tpu.memory_space<vmem_shared>> -> memref<10240x128xf32, #tpu.memory_space<vmem_shared>>
        tpu.enqueue_indirect_dma source(%arg10 : memref<128x128xf32, #tpu.memory_space<vmem>>) target(%dma_start3A_63 : memref<10240x128xf32, #tpu.memory_space<vmem_shared>>) offsets(%dma_start3A_60 : memref<128xi32, #tpu.memory_space<vmem>>) semaphore(%run_scoped3A : memref<!tpu.dma_semaphore, #tpu.memory_space<semaphore_mem>>) {add = true}
        %dma_wait3A_64 = arith.constant 0 : i32
        %dma_wait3A_65 = tpu.memref_slice %arg8[%add3A_57, %dma_wait3A_64] : memref<40x128xi32, #tpu.memory_space<vmem>> -> memref<1x128xi32, #tpu.memory_space<vmem>>
        %dma_wait3A_66 = tpu.memref_squeeze %dma_wait3A_65 : memref<1x128xi32, #tpu.memory_space<vmem>> -> memref<128xi32, #tpu.memory_space<vmem>>
        %dma_wait3A_67 = arith.constant 0 : i32
        %dma_wait3A_68 = arith.constant 0 : i32
        %dma_wait3A_69 = tpu.memref_slice %arg13[%dma_wait3A_67, %dma_wait3A_68] : memref<10240x128xf32, #tpu.memory_space<vmem_shared>> -> memref<10240x128xf32, #tpu.memory_space<vmem_shared>>
        tpu.wait_indirect_dma semaphore(%run_scoped3A : memref<!tpu.dma_semaphore, #tpu.memory_space<semaphore_mem>>) src(%arg10 : memref<128x128xf32, #tpu.memory_space<vmem>>) dst(%dma_wait3A_69 : memref<10240x128xf32, #tpu.memory_space<vmem_shared>>)
        tpu.yield
      }) : () -> ()
    }
    %scan3A_27 = arith.constant 20 : i32
    %barrier3A_28 = arith.constant 0 : index
    tpu.barrier barrier_id(%barrier3A_28)
    "tpu.region"() ({
      %run_scoped3A = tpu.sem_alloc : memref<!tpu.dma_semaphore, #tpu.memory_space<semaphore_mem>>
      %dma_start3A = arith.constant 0 : i32
      %dma_start3A_29 = tpu.memref_slice %arg6[%arg0, %mul3A_2, %dma_start3A] : memref<2x10240x128xf32, #tpu.memory_space<hbm>> -> memref<1x640x128xf32, #tpu.memory_space<hbm>>
      %dma_start3A_30 = tpu.memref_squeeze %dma_start3A_29 : memref<1x640x128xf32, #tpu.memory_space<hbm>> -> memref<640x128xf32, #tpu.memory_space<hbm>>
      %dma_start3A_31 = arith.constant 0 : i32
      %dma_start3A_32 = tpu.memref_slice %arg13[%mul3A_2, %dma_start3A_31] : memref<10240x128xf32, #tpu.memory_space<vmem_shared>> -> memref<640x128xf32, #tpu.memory_space<vmem_shared>>
      tpu.enqueue_dma source(%dma_start3A_32 : memref<640x128xf32, #tpu.memory_space<vmem_shared>>) target(%dma_start3A_30 : memref<640x128xf32, #tpu.memory_space<hbm>>) target_semaphore(%run_scoped3A : memref<!tpu.dma_semaphore, #tpu.memory_space<semaphore_mem>>)
      %dma_wait3A = arith.constant 0 : i32
      %dma_wait3A_33 = tpu.memref_slice %arg6[%arg0, %mul3A_2, %dma_wait3A] : memref<2x10240x128xf32, #tpu.memory_space<hbm>> -> memref<1x640x128xf32, #tpu.memory_space<hbm>>
      %dma_wait3A_34 = tpu.memref_squeeze %dma_wait3A_33 : memref<1x640x128xf32, #tpu.memory_space<hbm>> -> memref<640x128xf32, #tpu.memory_space<hbm>>
      %dma_wait3A_35 = arith.constant 0 : i32
      %dma_wait3A_36 = tpu.memref_slice %arg13[%mul3A_2, %dma_wait3A_35] : memref<10240x128xf32, #tpu.memory_space<vmem_shared>> -> memref<640x128xf32, #tpu.memory_space<vmem_shared>>
      tpu.wait_dma2 semaphore(%run_scoped3A : memref<!tpu.dma_semaphore, #tpu.memory_space<semaphore_mem>>) src(%dma_wait3A_36 : memref<640x128xf32, #tpu.memory_space<vmem_shared>>) dst(%dma_wait3A_34 : memref<640x128xf32, #tpu.memory_space<hbm>>)
      tpu.yield
    }) : () -> ()
    return
  }
}

#map = affine_map<(d0, d1) -> (0, 0)>
#map1 = affine_map<(d0, d1) -> (0, 0, 0)>
module attributes {stable_mosaic.version = 14 : i64} {
  func.func @_agg_kernel(%arg0: i32, %arg1: i32, %arg2: memref<10240x128xf32, #tpu.memory_space<hbm>>, %arg3: memref<2560x128xi32, #tpu.memory_space<hbm>>, %arg4: memref<2560x128xi32, #tpu.memory_space<hbm>>, %arg5: memref<10240x128xf32, #tpu.memory_space<hbm>>, %arg6: memref<2x10240x128xf32, #tpu.memory_space<hbm>>, %arg7: memref<40x128xi32, #tpu.memory_space<vmem>>, %arg8: memref<40x128xi32, #tpu.memory_space<vmem>>, %arg9: memref<128x128xf32, #tpu.memory_space<vmem>>, %arg10: memref<128x128xf32, #tpu.memory_space<vmem>>, %arg11: memref<!tpu.dma_semaphore, #tpu.memory_space<semaphore_mem>>, %arg12: memref<!tpu.dma_semaphore, #tpu.memory_space<semaphore_mem>>, %arg13: memref<10240x128xf32, #tpu.memory_space<vmem_shared>>) attributes {dimension_semantics = [#tpu.dimension_semantics<core_parallel>, #tpu.dimension_semantics<subcore_parallel>], iteration_bounds = array<i64: 2, 16>, scalar_prefetch = 0 : i64, scratch_operands = 7 : i64, tpu.core_type = #tpu.core_type<sc_vector_subcore>, window_params = [{transform_indices = #map}, {transform_indices = #map}, {transform_indices = #map}, {transform_indices = #map}, {transform_indices = #map1}]} {
    %mul3A = arith.constant 16 : i32
    %mul3A_0 = arith.muli %arg0, %mul3A : i32
    %add3A = arith.addi %mul3A_0, %arg1 : i32
    %mul3A_1 = arith.constant 640 : i32
    %mul3A_2 = arith.muli %arg1, %mul3A_1 : i32
    %eq3A = arith.constant 0 : i32
    %eq3A_3 = arith.cmpi eq, %arg0, %eq3A : i32
    %convert_element_type3A = arith.extui %eq3A_3 : i1 to i32
    %cond3A = arith.constant 0 : i32
    %cond3A_4 = arith.cmpi ne, %convert_element_type3A, %cond3A : i32
    scf.if %cond3A_4 {
      "tpu.region"() ({
        %run_scoped3A = tpu.sem_alloc : memref<!tpu.dma_semaphore, #tpu.memory_space<semaphore_mem>>
        %dma_start3A = arith.constant 0 : i32
        %dma_start3A_29 = tpu.memref_slice %arg13[%mul3A_2, %dma_start3A] : memref<10240x128xf32, #tpu.memory_space<vmem_shared>> -> memref<640x128xf32, #tpu.memory_space<vmem_shared>>
        %dma_start3A_30 = arith.constant 0 : i32
        %dma_start3A_31 = tpu.memref_slice %arg2[%mul3A_2, %dma_start3A_30] : memref<10240x128xf32, #tpu.memory_space<hbm>> -> memref<640x128xf32, #tpu.memory_space<hbm>>
        tpu.enqueue_dma source(%dma_start3A_31 : memref<640x128xf32, #tpu.memory_space<hbm>>) target(%dma_start3A_29 : memref<640x128xf32, #tpu.memory_space<vmem_shared>>) target_semaphore(%run_scoped3A : memref<!tpu.dma_semaphore, #tpu.memory_space<semaphore_mem>>)
        %dma_wait3A = arith.constant 0 : i32
        %dma_wait3A_32 = tpu.memref_slice %arg13[%mul3A_2, %dma_wait3A] : memref<10240x128xf32, #tpu.memory_space<vmem_shared>> -> memref<640x128xf32, #tpu.memory_space<vmem_shared>>
        %dma_wait3A_33 = arith.constant 0 : i32
        %dma_wait3A_34 = tpu.memref_slice %arg2[%mul3A_2, %dma_wait3A_33] : memref<10240x128xf32, #tpu.memory_space<hbm>> -> memref<640x128xf32, #tpu.memory_space<hbm>>
        tpu.wait_dma2 semaphore(%run_scoped3A : memref<!tpu.dma_semaphore, #tpu.memory_space<semaphore_mem>>) src(%dma_wait3A_34 : memref<640x128xf32, #tpu.memory_space<hbm>>) dst(%dma_wait3A_32 : memref<640x128xf32, #tpu.memory_space<vmem_shared>>)
        tpu.yield
      }) : () -> ()
    } else {
    }
    %ne3A = arith.constant 0 : i32
    %ne3A_5 = arith.cmpi ne, %arg0, %ne3A : i32
    %convert_element_type3A_6 = arith.extui %ne3A_5 : i1 to i32
    %cond3A_7 = arith.constant 0 : i32
    %cond3A_8 = arith.cmpi ne, %convert_element_type3A_6, %cond3A_7 : i32
    scf.if %cond3A_8 {
      "tpu.region"() ({
        %run_scoped3A = tpu.sem_alloc : memref<!tpu.dma_semaphore, #tpu.memory_space<semaphore_mem>>
        %dma_start3A = arith.constant 0 : i32
        %dma_start3A_29 = tpu.memref_slice %arg13[%mul3A_2, %dma_start3A] : memref<10240x128xf32, #tpu.memory_space<vmem_shared>> -> memref<640x128xf32, #tpu.memory_space<vmem_shared>>
        %dma_start3A_30 = arith.constant 0 : i32
        %dma_start3A_31 = tpu.memref_slice %arg5[%mul3A_2, %dma_start3A_30] : memref<10240x128xf32, #tpu.memory_space<hbm>> -> memref<640x128xf32, #tpu.memory_space<hbm>>
        tpu.enqueue_dma source(%dma_start3A_31 : memref<640x128xf32, #tpu.memory_space<hbm>>) target(%dma_start3A_29 : memref<640x128xf32, #tpu.memory_space<vmem_shared>>) target_semaphore(%run_scoped3A : memref<!tpu.dma_semaphore, #tpu.memory_space<semaphore_mem>>)
        %dma_wait3A = arith.constant 0 : i32
        %dma_wait3A_32 = tpu.memref_slice %arg13[%mul3A_2, %dma_wait3A] : memref<10240x128xf32, #tpu.memory_space<vmem_shared>> -> memref<640x128xf32, #tpu.memory_space<vmem_shared>>
        %dma_wait3A_33 = arith.constant 0 : i32
        %dma_wait3A_34 = tpu.memref_slice %arg5[%mul3A_2, %dma_wait3A_33] : memref<10240x128xf32, #tpu.memory_space<hbm>> -> memref<640x128xf32, #tpu.memory_space<hbm>>
        tpu.wait_dma2 semaphore(%run_scoped3A : memref<!tpu.dma_semaphore, #tpu.memory_space<semaphore_mem>>) src(%dma_wait3A_34 : memref<640x128xf32, #tpu.memory_space<hbm>>) dst(%dma_wait3A_32 : memref<640x128xf32, #tpu.memory_space<vmem_shared>>)
        tpu.yield
      }) : () -> ()
    } else {
    }
    %barrier3A = arith.constant 0 : index
    tpu.barrier barrier_id(%barrier3A)
    %mul3A_9 = arith.constant 80 : i32
    %mul3A_10 = arith.muli %add3A, %mul3A_9 : i32
    %add3A_11 = arith.constant 0 : i32
    %add3A_12 = arith.addi %mul3A_10, %add3A_11 : i32
    "tpu.region"() ({
      %run_scoped3A = tpu.sem_alloc : memref<!tpu.dma_semaphore, #tpu.memory_space<semaphore_mem>>
      %dma_start3A = arith.constant 0 : i32
      %dma_start3A_29 = tpu.memref_slice %arg3[%add3A_12, %dma_start3A] : memref<2560x128xi32, #tpu.memory_space<hbm>> -> memref<40x128xi32, #tpu.memory_space<hbm>>
      %dma_start3A_30 = arith.constant 0 : i32
      %dma_start3A_31 = tpu.memref_slice %arg3[%add3A_12, %dma_start3A_30] : memref<2560x128xi32, #tpu.memory_space<hbm>> -> memref<40x128xi32, #tpu.memory_space<hbm>>
      tpu.enqueue_dma source(%dma_start3A_31 : memref<40x128xi32, #tpu.memory_space<hbm>>) target(%arg7 : memref<40x128xi32, #tpu.memory_space<vmem>>) target_semaphore(%run_scoped3A : memref<!tpu.dma_semaphore, #tpu.memory_space<semaphore_mem>>)
      %dma_wait3A = arith.constant 0 : i32
      %dma_wait3A_32 = tpu.memref_slice %arg3[%add3A_12, %dma_wait3A] : memref<2560x128xi32, #tpu.memory_space<hbm>> -> memref<40x128xi32, #tpu.memory_space<hbm>>
      %dma_wait3A_33 = arith.constant 0 : i32
      %dma_wait3A_34 = tpu.memref_slice %arg3[%add3A_12, %dma_wait3A_33] : memref<2560x128xi32, #tpu.memory_space<hbm>> -> memref<40x128xi32, #tpu.memory_space<hbm>>
      tpu.wait_dma2 semaphore(%run_scoped3A : memref<!tpu.dma_semaphore, #tpu.memory_space<semaphore_mem>>) src(%dma_wait3A_34 : memref<40x128xi32, #tpu.memory_space<hbm>>) dst(%arg7 : memref<40x128xi32, #tpu.memory_space<vmem>>)
      tpu.yield
    }) : () -> ()
    "tpu.region"() ({
      %run_scoped3A = tpu.sem_alloc : memref<!tpu.dma_semaphore, #tpu.memory_space<semaphore_mem>>
      %dma_start3A = arith.constant 0 : i32
      %dma_start3A_29 = tpu.memref_slice %arg4[%add3A_12, %dma_start3A] : memref<2560x128xi32, #tpu.memory_space<hbm>> -> memref<40x128xi32, #tpu.memory_space<hbm>>
      %dma_start3A_30 = arith.constant 0 : i32
      %dma_start3A_31 = tpu.memref_slice %arg4[%add3A_12, %dma_start3A_30] : memref<2560x128xi32, #tpu.memory_space<hbm>> -> memref<40x128xi32, #tpu.memory_space<hbm>>
      tpu.enqueue_dma source(%dma_start3A_31 : memref<40x128xi32, #tpu.memory_space<hbm>>) target(%arg8 : memref<40x128xi32, #tpu.memory_space<vmem>>) target_semaphore(%run_scoped3A : memref<!tpu.dma_semaphore, #tpu.memory_space<semaphore_mem>>)
      %dma_wait3A = arith.constant 0 : i32
      %dma_wait3A_32 = tpu.memref_slice %arg4[%add3A_12, %dma_wait3A] : memref<2560x128xi32, #tpu.memory_space<hbm>> -> memref<40x128xi32, #tpu.memory_space<hbm>>
      %dma_wait3A_33 = arith.constant 0 : i32
      %dma_wait3A_34 = tpu.memref_slice %arg4[%add3A_12, %dma_wait3A_33] : memref<2560x128xi32, #tpu.memory_space<hbm>> -> memref<40x128xi32, #tpu.memory_space<hbm>>
      tpu.wait_dma2 semaphore(%run_scoped3A : memref<!tpu.dma_semaphore, #tpu.memory_space<semaphore_mem>>) src(%dma_wait3A_34 : memref<40x128xi32, #tpu.memory_space<hbm>>) dst(%arg8 : memref<40x128xi32, #tpu.memory_space<vmem>>)
      tpu.yield
    }) : () -> ()
    %scan3A = arith.constant 0 : i32
    %scan3A_13 = arith.constant 0 : i32
    %scan3A_14 = arith.constant 20 : i32
    %scan3A_15 = arith.addi %scan3A_13, %scan3A_14 : i32
    %scan3A_16 = arith.constant 1 : i32
    scf.for %scan3A_29 = %scan3A_13 to %scan3A_15 step %scan3A_16  : i32 {
      %mul3A_30 = arith.constant 2 : i32
      %mul3A_31 = arith.muli %mul3A_30, %scan3A_29 : i32
      %dma_start3A = arith.constant 0 : i32
      %dma_start3A_32 = tpu.memref_slice %arg7[%mul3A_31, %dma_start3A] : memref<40x128xi32, #tpu.memory_space<vmem>> -> memref<1x128xi32, #tpu.memory_space<vmem>>
      %dma_start3A_33 = tpu.memref_squeeze %dma_start3A_32 : memref<1x128xi32, #tpu.memory_space<vmem>> -> memref<128xi32, #tpu.memory_space<vmem>>
      %dma_start3A_34 = arith.constant 0 : i32
      %dma_start3A_35 = arith.constant 0 : i32
      %dma_start3A_36 = tpu.memref_slice %arg2[%dma_start3A_34, %dma_start3A_35] : memref<10240x128xf32, #tpu.memory_space<hbm>> -> memref<10240x128xf32, #tpu.memory_space<hbm>>
      tpu.enqueue_indirect_dma source(%dma_start3A_36 : memref<10240x128xf32, #tpu.memory_space<hbm>>) target(%arg9 : memref<128x128xf32, #tpu.memory_space<vmem>>) offsets(%dma_start3A_33 : memref<128xi32, #tpu.memory_space<vmem>>) semaphore(%arg11 : memref<!tpu.dma_semaphore, #tpu.memory_space<semaphore_mem>>)
      %add3A_37 = arith.constant 1 : i32
      %add3A_38 = arith.addi %mul3A_31, %add3A_37 : i32
      %dma_start3A_39 = arith.constant 0 : i32
      %dma_start3A_40 = tpu.memref_slice %arg7[%add3A_38, %dma_start3A_39] : memref<40x128xi32, #tpu.memory_space<vmem>> -> memref<1x128xi32, #tpu.memory_space<vmem>>
      %dma_start3A_41 = tpu.memref_squeeze %dma_start3A_40 : memref<1x128xi32, #tpu.memory_space<vmem>> -> memref<128xi32, #tpu.memory_space<vmem>>
      %dma_start3A_42 = arith.constant 0 : i32
      %dma_start3A_43 = arith.constant 0 : i32
      %dma_start3A_44 = tpu.memref_slice %arg2[%dma_start3A_42, %dma_start3A_43] : memref<10240x128xf32, #tpu.memory_space<hbm>> -> memref<10240x128xf32, #tpu.memory_space<hbm>>
      tpu.enqueue_indirect_dma source(%dma_start3A_44 : memref<10240x128xf32, #tpu.memory_space<hbm>>) target(%arg10 : memref<128x128xf32, #tpu.memory_space<vmem>>) offsets(%dma_start3A_41 : memref<128xi32, #tpu.memory_space<vmem>>) semaphore(%arg12 : memref<!tpu.dma_semaphore, #tpu.memory_space<semaphore_mem>>)
      %dma_wait3A = arith.constant 0 : i32
      %dma_wait3A_45 = tpu.memref_slice %arg7[%mul3A_31, %dma_wait3A] : memref<40x128xi32, #tpu.memory_space<vmem>> -> memref<1x128xi32, #tpu.memory_space<vmem>>
      %dma_wait3A_46 = tpu.memref_squeeze %dma_wait3A_45 : memref<1x128xi32, #tpu.memory_space<vmem>> -> memref<128xi32, #tpu.memory_space<vmem>>
      %dma_wait3A_47 = arith.constant 0 : i32
      %dma_wait3A_48 = arith.constant 0 : i32
      %dma_wait3A_49 = tpu.memref_slice %arg2[%dma_wait3A_47, %dma_wait3A_48] : memref<10240x128xf32, #tpu.memory_space<hbm>> -> memref<10240x128xf32, #tpu.memory_space<hbm>>
      tpu.wait_indirect_dma semaphore(%arg11 : memref<!tpu.dma_semaphore, #tpu.memory_space<semaphore_mem>>) src(%dma_wait3A_49 : memref<10240x128xf32, #tpu.memory_space<hbm>>) dst(%arg9 : memref<128x128xf32, #tpu.memory_space<vmem>>)
      "tpu.region"() ({
        %run_scoped3A = tpu.sem_alloc : memref<!tpu.dma_semaphore, #tpu.memory_space<semaphore_mem>>
        %dma_start3A_58 = arith.constant 0 : i32
        %dma_start3A_59 = tpu.memref_slice %arg8[%mul3A_31, %dma_start3A_58] : memref<40x128xi32, #tpu.memory_space<vmem>> -> memref<1x128xi32, #tpu.memory_space<vmem>>
        %dma_start3A_60 = tpu.memref_squeeze %dma_start3A_59 : memref<1x128xi32, #tpu.memory_space<vmem>> -> memref<128xi32, #tpu.memory_space<vmem>>
        %dma_start3A_61 = arith.constant 0 : i32
        %dma_start3A_62 = arith.constant 0 : i32
        %dma_start3A_63 = tpu.memref_slice %arg13[%dma_start3A_61, %dma_start3A_62] : memref<10240x128xf32, #tpu.memory_space<vmem_shared>> -> memref<10240x128xf32, #tpu.memory_space<vmem_shared>>
        tpu.enqueue_indirect_dma source(%arg9 : memref<128x128xf32, #tpu.memory_space<vmem>>) target(%dma_start3A_63 : memref<10240x128xf32, #tpu.memory_space<vmem_shared>>) offsets(%dma_start3A_60 : memref<128xi32, #tpu.memory_space<vmem>>) semaphore(%run_scoped3A : memref<!tpu.dma_semaphore, #tpu.memory_space<semaphore_mem>>) {add = true}
        %dma_wait3A_64 = arith.constant 0 : i32
        %dma_wait3A_65 = tpu.memref_slice %arg8[%mul3A_31, %dma_wait3A_64] : memref<40x128xi32, #tpu.memory_space<vmem>> -> memref<1x128xi32, #tpu.memory_space<vmem>>
        %dma_wait3A_66 = tpu.memref_squeeze %dma_wait3A_65 : memref<1x128xi32, #tpu.memory_space<vmem>> -> memref<128xi32, #tpu.memory_space<vmem>>
        %dma_wait3A_67 = arith.constant 0 : i32
        %dma_wait3A_68 = arith.constant 0 : i32
        %dma_wait3A_69 = tpu.memref_slice %arg13[%dma_wait3A_67, %dma_wait3A_68] : memref<10240x128xf32, #tpu.memory_space<vmem_shared>> -> memref<10240x128xf32, #tpu.memory_space<vmem_shared>>
        tpu.wait_indirect_dma semaphore(%run_scoped3A : memref<!tpu.dma_semaphore, #tpu.memory_space<semaphore_mem>>) src(%arg9 : memref<128x128xf32, #tpu.memory_space<vmem>>) dst(%dma_wait3A_69 : memref<10240x128xf32, #tpu.memory_space<vmem_shared>>)
        tpu.yield
      }) : () -> ()
      %dma_wait3A_50 = arith.constant 0 : i32
      %dma_wait3A_51 = tpu.memref_slice %arg7[%add3A_38, %dma_wait3A_50] : memref<40x128xi32, #tpu.memory_space<vmem>> -> memref<1x128xi32, #tpu.memory_space<vmem>>
      %dma_wait3A_52 = tpu.memref_squeeze %dma_wait3A_51 : memref<1x128xi32, #tpu.memory_space<vmem>> -> memref<128xi32, #tpu.memory_space<vmem>>
      %dma_wait3A_53 = arith.constant 0 : i32
      %dma_wait3A_54 = arith.constant 0 : i32
      %dma_wait3A_55 = tpu.memref_slice %arg2[%dma_wait3A_53, %dma_wait3A_54] : memref<10240x128xf32, #tpu.memory_space<hbm>> -> memref<10240x128xf32, #tpu.memory_space<hbm>>
      tpu.wait_indirect_dma semaphore(%arg12 : memref<!tpu.dma_semaphore, #tpu.memory_space<semaphore_mem>>) src(%dma_wait3A_55 : memref<10240x128xf32, #tpu.memory_space<hbm>>) dst(%arg10 : memref<128x128xf32, #tpu.memory_space<vmem>>)
      %add3A_56 = arith.constant 1 : i32
      %add3A_57 = arith.addi %mul3A_31, %add3A_56 : i32
      "tpu.region"() ({
        %run_scoped3A = tpu.sem_alloc : memref<!tpu.dma_semaphore, #tpu.memory_space<semaphore_mem>>
        %dma_start3A_58 = arith.constant 0 : i32
        %dma_start3A_59 = tpu.memref_slice %arg8[%add3A_57, %dma_start3A_58] : memref<40x128xi32, #tpu.memory_space<vmem>> -> memref<1x128xi32, #tpu.memory_space<vmem>>
        %dma_start3A_60 = tpu.memref_squeeze %dma_start3A_59 : memref<1x128xi32, #tpu.memory_space<vmem>> -> memref<128xi32, #tpu.memory_space<vmem>>
        %dma_start3A_61 = arith.constant 0 : i32
        %dma_start3A_62 = arith.constant 0 : i32
        %dma_start3A_63 = tpu.memref_slice %arg13[%dma_start3A_61, %dma_start3A_62] : memref<10240x128xf32, #tpu.memory_space<vmem_shared>> -> memref<10240x128xf32, #tpu.memory_space<vmem_shared>>
        tpu.enqueue_indirect_dma source(%arg10 : memref<128x128xf32, #tpu.memory_space<vmem>>) target(%dma_start3A_63 : memref<10240x128xf32, #tpu.memory_space<vmem_shared>>) offsets(%dma_start3A_60 : memref<128xi32, #tpu.memory_space<vmem>>) semaphore(%run_scoped3A : memref<!tpu.dma_semaphore, #tpu.memory_space<semaphore_mem>>) {add = true}
        %dma_wait3A_64 = arith.constant 0 : i32
        %dma_wait3A_65 = tpu.memref_slice %arg8[%add3A_57, %dma_wait3A_64] : memref<40x128xi32, #tpu.memory_space<vmem>> -> memref<1x128xi32, #tpu.memory_space<vmem>>
        %dma_wait3A_66 = tpu.memref_squeeze %dma_wait3A_65 : memref<1x128xi32, #tpu.memory_space<vmem>> -> memref<128xi32, #tpu.memory_space<vmem>>
        %dma_wait3A_67 = arith.constant 0 : i32
        %dma_wait3A_68 = arith.constant 0 : i32
        %dma_wait3A_69 = tpu.memref_slice %arg13[%dma_wait3A_67, %dma_wait3A_68] : memref<10240x128xf32, #tpu.memory_space<vmem_shared>> -> memref<10240x128xf32, #tpu.memory_space<vmem_shared>>
        tpu.wait_indirect_dma semaphore(%run_scoped3A : memref<!tpu.dma_semaphore, #tpu.memory_space<semaphore_mem>>) src(%arg10 : memref<128x128xf32, #tpu.memory_space<vmem>>) dst(%dma_wait3A_69 : memref<10240x128xf32, #tpu.memory_space<vmem_shared>>)
        tpu.yield
      }) : () -> ()
    }
    %scan3A_17 = arith.constant 20 : i32
    %mul3A_18 = arith.constant 80 : i32
    %mul3A_19 = arith.muli %add3A, %mul3A_18 : i32
    %add3A_20 = arith.constant 40 : i32
    %add3A_21 = arith.addi %mul3A_19, %add3A_20 : i32
    "tpu.region"() ({
      %run_scoped3A = tpu.sem_alloc : memref<!tpu.dma_semaphore, #tpu.memory_space<semaphore_mem>>
      %dma_start3A = arith.constant 0 : i32
      %dma_start3A_29 = tpu.memref_slice %arg3[%add3A_21, %dma_start3A] : memref<2560x128xi32, #tpu.memory_space<hbm>> -> memref<40x128xi32, #tpu.memory_space<hbm>>
      %dma_start3A_30 = arith.constant 0 : i32
      %dma_start3A_31 = tpu.memref_slice %arg3[%add3A_21, %dma_start3A_30] : memref<2560x128xi32, #tpu.memory_space<hbm>> -> memref<40x128xi32, #tpu.memory_space<hbm>>
      tpu.enqueue_dma source(%dma_start3A_31 : memref<40x128xi32, #tpu.memory_space<hbm>>) target(%arg7 : memref<40x128xi32, #tpu.memory_space<vmem>>) target_semaphore(%run_scoped3A : memref<!tpu.dma_semaphore, #tpu.memory_space<semaphore_mem>>)
      %dma_wait3A = arith.constant 0 : i32
      %dma_wait3A_32 = tpu.memref_slice %arg3[%add3A_21, %dma_wait3A] : memref<2560x128xi32, #tpu.memory_space<hbm>> -> memref<40x128xi32, #tpu.memory_space<hbm>>
      %dma_wait3A_33 = arith.constant 0 : i32
      %dma_wait3A_34 = tpu.memref_slice %arg3[%add3A_21, %dma_wait3A_33] : memref<2560x128xi32, #tpu.memory_space<hbm>> -> memref<40x128xi32, #tpu.memory_space<hbm>>
      tpu.wait_dma2 semaphore(%run_scoped3A : memref<!tpu.dma_semaphore, #tpu.memory_space<semaphore_mem>>) src(%dma_wait3A_34 : memref<40x128xi32, #tpu.memory_space<hbm>>) dst(%arg7 : memref<40x128xi32, #tpu.memory_space<vmem>>)
      tpu.yield
    }) : () -> ()
    "tpu.region"() ({
      %run_scoped3A = tpu.sem_alloc : memref<!tpu.dma_semaphore, #tpu.memory_space<semaphore_mem>>
      %dma_start3A = arith.constant 0 : i32
      %dma_start3A_29 = tpu.memref_slice %arg4[%add3A_21, %dma_start3A] : memref<2560x128xi32, #tpu.memory_space<hbm>> -> memref<40x128xi32, #tpu.memory_space<hbm>>
      %dma_start3A_30 = arith.constant 0 : i32
      %dma_start3A_31 = tpu.memref_slice %arg4[%add3A_21, %dma_start3A_30] : memref<2560x128xi32, #tpu.memory_space<hbm>> -> memref<40x128xi32, #tpu.memory_space<hbm>>
      tpu.enqueue_dma source(%dma_start3A_31 : memref<40x128xi32, #tpu.memory_space<hbm>>) target(%arg8 : memref<40x128xi32, #tpu.memory_space<vmem>>) target_semaphore(%run_scoped3A : memref<!tpu.dma_semaphore, #tpu.memory_space<semaphore_mem>>)
      %dma_wait3A = arith.constant 0 : i32
      %dma_wait3A_32 = tpu.memref_slice %arg4[%add3A_21, %dma_wait3A] : memref<2560x128xi32, #tpu.memory_space<hbm>> -> memref<40x128xi32, #tpu.memory_space<hbm>>
      %dma_wait3A_33 = arith.constant 0 : i32
      %dma_wait3A_34 = tpu.memref_slice %arg4[%add3A_21, %dma_wait3A_33] : memref<2560x128xi32, #tpu.memory_space<hbm>> -> memref<40x128xi32, #tpu.memory_space<hbm>>
      tpu.wait_dma2 semaphore(%run_scoped3A : memref<!tpu.dma_semaphore, #tpu.memory_space<semaphore_mem>>) src(%dma_wait3A_34 : memref<40x128xi32, #tpu.memory_space<hbm>>) dst(%arg8 : memref<40x128xi32, #tpu.memory_space<vmem>>)
      tpu.yield
    }) : () -> ()
    %scan3A_22 = arith.constant 0 : i32
    %scan3A_23 = arith.constant 0 : i32
    %scan3A_24 = arith.constant 20 : i32
    %scan3A_25 = arith.addi %scan3A_23, %scan3A_24 : i32
    %scan3A_26 = arith.constant 1 : i32
    scf.for %scan3A_29 = %scan3A_23 to %scan3A_25 step %scan3A_26  : i32 {
      %mul3A_30 = arith.constant 2 : i32
      %mul3A_31 = arith.muli %mul3A_30, %scan3A_29 : i32
      %dma_start3A = arith.constant 0 : i32
      %dma_start3A_32 = tpu.memref_slice %arg7[%mul3A_31, %dma_start3A] : memref<40x128xi32, #tpu.memory_space<vmem>> -> memref<1x128xi32, #tpu.memory_space<vmem>>
      %dma_start3A_33 = tpu.memref_squeeze %dma_start3A_32 : memref<1x128xi32, #tpu.memory_space<vmem>> -> memref<128xi32, #tpu.memory_space<vmem>>
      %dma_start3A_34 = arith.constant 0 : i32
      %dma_start3A_35 = arith.constant 0 : i32
      %dma_start3A_36 = tpu.memref_slice %arg2[%dma_start3A_34, %dma_start3A_35] : memref<10240x128xf32, #tpu.memory_space<hbm>> -> memref<10240x128xf32, #tpu.memory_space<hbm>>
      tpu.enqueue_indirect_dma source(%dma_start3A_36 : memref<10240x128xf32, #tpu.memory_space<hbm>>) target(%arg9 : memref<128x128xf32, #tpu.memory_space<vmem>>) offsets(%dma_start3A_33 : memref<128xi32, #tpu.memory_space<vmem>>) semaphore(%arg11 : memref<!tpu.dma_semaphore, #tpu.memory_space<semaphore_mem>>)
      %add3A_37 = arith.constant 1 : i32
      %add3A_38 = arith.addi %mul3A_31, %add3A_37 : i32
      %dma_start3A_39 = arith.constant 0 : i32
      %dma_start3A_40 = tpu.memref_slice %arg7[%add3A_38, %dma_start3A_39] : memref<40x128xi32, #tpu.memory_space<vmem>> -> memref<1x128xi32, #tpu.memory_space<vmem>>
      %dma_start3A_41 = tpu.memref_squeeze %dma_start3A_40 : memref<1x128xi32, #tpu.memory_space<vmem>> -> memref<128xi32, #tpu.memory_space<vmem>>
      %dma_start3A_42 = arith.constant 0 : i32
      %dma_start3A_43 = arith.constant 0 : i32
      %dma_start3A_44 = tpu.memref_slice %arg2[%dma_start3A_42, %dma_start3A_43] : memref<10240x128xf32, #tpu.memory_space<hbm>> -> memref<10240x128xf32, #tpu.memory_space<hbm>>
      tpu.enqueue_indirect_dma source(%dma_start3A_44 : memref<10240x128xf32, #tpu.memory_space<hbm>>) target(%arg10 : memref<128x128xf32, #tpu.memory_space<vmem>>) offsets(%dma_start3A_41 : memref<128xi32, #tpu.memory_space<vmem>>) semaphore(%arg12 : memref<!tpu.dma_semaphore, #tpu.memory_space<semaphore_mem>>)
      %dma_wait3A = arith.constant 0 : i32
      %dma_wait3A_45 = tpu.memref_slice %arg7[%mul3A_31, %dma_wait3A] : memref<40x128xi32, #tpu.memory_space<vmem>> -> memref<1x128xi32, #tpu.memory_space<vmem>>
      %dma_wait3A_46 = tpu.memref_squeeze %dma_wait3A_45 : memref<1x128xi32, #tpu.memory_space<vmem>> -> memref<128xi32, #tpu.memory_space<vmem>>
      %dma_wait3A_47 = arith.constant 0 : i32
      %dma_wait3A_48 = arith.constant 0 : i32
      %dma_wait3A_49 = tpu.memref_slice %arg2[%dma_wait3A_47, %dma_wait3A_48] : memref<10240x128xf32, #tpu.memory_space<hbm>> -> memref<10240x128xf32, #tpu.memory_space<hbm>>
      tpu.wait_indirect_dma semaphore(%arg11 : memref<!tpu.dma_semaphore, #tpu.memory_space<semaphore_mem>>) src(%dma_wait3A_49 : memref<10240x128xf32, #tpu.memory_space<hbm>>) dst(%arg9 : memref<128x128xf32, #tpu.memory_space<vmem>>)
      "tpu.region"() ({
        %run_scoped3A = tpu.sem_alloc : memref<!tpu.dma_semaphore, #tpu.memory_space<semaphore_mem>>
        %dma_start3A_58 = arith.constant 0 : i32
        %dma_start3A_59 = tpu.memref_slice %arg8[%mul3A_31, %dma_start3A_58] : memref<40x128xi32, #tpu.memory_space<vmem>> -> memref<1x128xi32, #tpu.memory_space<vmem>>
        %dma_start3A_60 = tpu.memref_squeeze %dma_start3A_59 : memref<1x128xi32, #tpu.memory_space<vmem>> -> memref<128xi32, #tpu.memory_space<vmem>>
        %dma_start3A_61 = arith.constant 0 : i32
        %dma_start3A_62 = arith.constant 0 : i32
        %dma_start3A_63 = tpu.memref_slice %arg13[%dma_start3A_61, %dma_start3A_62] : memref<10240x128xf32, #tpu.memory_space<vmem_shared>> -> memref<10240x128xf32, #tpu.memory_space<vmem_shared>>
        tpu.enqueue_indirect_dma source(%arg9 : memref<128x128xf32, #tpu.memory_space<vmem>>) target(%dma_start3A_63 : memref<10240x128xf32, #tpu.memory_space<vmem_shared>>) offsets(%dma_start3A_60 : memref<128xi32, #tpu.memory_space<vmem>>) semaphore(%run_scoped3A : memref<!tpu.dma_semaphore, #tpu.memory_space<semaphore_mem>>) {add = true}
        %dma_wait3A_64 = arith.constant 0 : i32
        %dma_wait3A_65 = tpu.memref_slice %arg8[%mul3A_31, %dma_wait3A_64] : memref<40x128xi32, #tpu.memory_space<vmem>> -> memref<1x128xi32, #tpu.memory_space<vmem>>
        %dma_wait3A_66 = tpu.memref_squeeze %dma_wait3A_65 : memref<1x128xi32, #tpu.memory_space<vmem>> -> memref<128xi32, #tpu.memory_space<vmem>>
        %dma_wait3A_67 = arith.constant 0 : i32
        %dma_wait3A_68 = arith.constant 0 : i32
        %dma_wait3A_69 = tpu.memref_slice %arg13[%dma_wait3A_67, %dma_wait3A_68] : memref<10240x128xf32, #tpu.memory_space<vmem_shared>> -> memref<10240x128xf32, #tpu.memory_space<vmem_shared>>
        tpu.wait_indirect_dma semaphore(%run_scoped3A : memref<!tpu.dma_semaphore, #tpu.memory_space<semaphore_mem>>) src(%arg9 : memref<128x128xf32, #tpu.memory_space<vmem>>) dst(%dma_wait3A_69 : memref<10240x128xf32, #tpu.memory_space<vmem_shared>>)
        tpu.yield
      }) : () -> ()
      %dma_wait3A_50 = arith.constant 0 : i32
      %dma_wait3A_51 = tpu.memref_slice %arg7[%add3A_38, %dma_wait3A_50] : memref<40x128xi32, #tpu.memory_space<vmem>> -> memref<1x128xi32, #tpu.memory_space<vmem>>
      %dma_wait3A_52 = tpu.memref_squeeze %dma_wait3A_51 : memref<1x128xi32, #tpu.memory_space<vmem>> -> memref<128xi32, #tpu.memory_space<vmem>>
      %dma_wait3A_53 = arith.constant 0 : i32
      %dma_wait3A_54 = arith.constant 0 : i32
      %dma_wait3A_55 = tpu.memref_slice %arg2[%dma_wait3A_53, %dma_wait3A_54] : memref<10240x128xf32, #tpu.memory_space<hbm>> -> memref<10240x128xf32, #tpu.memory_space<hbm>>
      tpu.wait_indirect_dma semaphore(%arg12 : memref<!tpu.dma_semaphore, #tpu.memory_space<semaphore_mem>>) src(%dma_wait3A_55 : memref<10240x128xf32, #tpu.memory_space<hbm>>) dst(%arg10 : memref<128x128xf32, #tpu.memory_space<vmem>>)
      %add3A_56 = arith.constant 1 : i32
      %add3A_57 = arith.addi %mul3A_31, %add3A_56 : i32
      "tpu.region"() ({
        %run_scoped3A = tpu.sem_alloc : memref<!tpu.dma_semaphore, #tpu.memory_space<semaphore_mem>>
        %dma_start3A_58 = arith.constant 0 : i32
        %dma_start3A_59 = tpu.memref_slice %arg8[%add3A_57, %dma_start3A_58] : memref<40x128xi32, #tpu.memory_space<vmem>> -> memref<1x128xi32, #tpu.memory_space<vmem>>
        %dma_start3A_60 = tpu.memref_squeeze %dma_start3A_59 : memref<1x128xi32, #tpu.memory_space<vmem>> -> memref<128xi32, #tpu.memory_space<vmem>>
        %dma_start3A_61 = arith.constant 0 : i32
        %dma_start3A_62 = arith.constant 0 : i32
        %dma_start3A_63 = tpu.memref_slice %arg13[%dma_start3A_61, %dma_start3A_62] : memref<10240x128xf32, #tpu.memory_space<vmem_shared>> -> memref<10240x128xf32, #tpu.memory_space<vmem_shared>>
        tpu.enqueue_indirect_dma source(%arg10 : memref<128x128xf32, #tpu.memory_space<vmem>>) target(%dma_start3A_63 : memref<10240x128xf32, #tpu.memory_space<vmem_shared>>) offsets(%dma_start3A_60 : memref<128xi32, #tpu.memory_space<vmem>>) semaphore(%run_scoped3A : memref<!tpu.dma_semaphore, #tpu.memory_space<semaphore_mem>>) {add = true}
        %dma_wait3A_64 = arith.constant 0 : i32
        %dma_wait3A_65 = tpu.memref_slice %arg8[%add3A_57, %dma_wait3A_64] : memref<40x128xi32, #tpu.memory_space<vmem>> -> memref<1x128xi32, #tpu.memory_space<vmem>>
        %dma_wait3A_66 = tpu.memref_squeeze %dma_wait3A_65 : memref<1x128xi32, #tpu.memory_space<vmem>> -> memref<128xi32, #tpu.memory_space<vmem>>
        %dma_wait3A_67 = arith.constant 0 : i32
        %dma_wait3A_68 = arith.constant 0 : i32
        %dma_wait3A_69 = tpu.memref_slice %arg13[%dma_wait3A_67, %dma_wait3A_68] : memref<10240x128xf32, #tpu.memory_space<vmem_shared>> -> memref<10240x128xf32, #tpu.memory_space<vmem_shared>>
        tpu.wait_indirect_dma semaphore(%run_scoped3A : memref<!tpu.dma_semaphore, #tpu.memory_space<semaphore_mem>>) src(%arg10 : memref<128x128xf32, #tpu.memory_space<vmem>>) dst(%dma_wait3A_69 : memref<10240x128xf32, #tpu.memory_space<vmem_shared>>)
        tpu.yield
      }) : () -> ()
    }
    %scan3A_27 = arith.constant 20 : i32
    %barrier3A_28 = arith.constant 0 : index
    tpu.barrier barrier_id(%barrier3A_28)
    "tpu.region"() ({
      %run_scoped3A = tpu.sem_alloc : memref<!tpu.dma_semaphore, #tpu.memory_space<semaphore_mem>>
      %dma_start3A = arith.constant 0 : i32
      %dma_start3A_29 = tpu.memref_slice %arg6[%arg0, %mul3A_2, %dma_start3A] : memref<2x10240x128xf32, #tpu.memory_space<hbm>> -> memref<1x640x128xf32, #tpu.memory_space<hbm>>
      %dma_start3A_30 = tpu.memref_squeeze %dma_start3A_29 : memref<1x640x128xf32, #tpu.memory_space<hbm>> -> memref<640x128xf32, #tpu.memory_space<hbm>>
      %dma_start3A_31 = arith.constant 0 : i32
      %dma_start3A_32 = tpu.memref_slice %arg13[%mul3A_2, %dma_start3A_31] : memref<10240x128xf32, #tpu.memory_space<vmem_shared>> -> memref<640x128xf32, #tpu.memory_space<vmem_shared>>
      tpu.enqueue_dma source(%dma_start3A_32 : memref<640x128xf32, #tpu.memory_space<vmem_shared>>) target(%dma_start3A_30 : memref<640x128xf32, #tpu.memory_space<hbm>>) target_semaphore(%run_scoped3A : memref<!tpu.dma_semaphore, #tpu.memory_space<semaphore_mem>>)
      %dma_wait3A = arith.constant 0 : i32
      %dma_wait3A_33 = tpu.memref_slice %arg6[%arg0, %mul3A_2, %dma_wait3A] : memref<2x10240x128xf32, #tpu.memory_space<hbm>> -> memref<1x640x128xf32, #tpu.memory_space<hbm>>
      %dma_wait3A_34 = tpu.memref_squeeze %dma_wait3A_33 : memref<1x640x128xf32, #tpu.memory_space<hbm>> -> memref<640x128xf32, #tpu.memory_space<hbm>>
      %dma_wait3A_35 = arith.constant 0 : i32
      %dma_wait3A_36 = tpu.memref_slice %arg13[%mul3A_2, %dma_wait3A_35] : memref<10240x128xf32, #tpu.memory_space<vmem_shared>> -> memref<640x128xf32, #tpu.memory_space<vmem_shared>>
      tpu.wait_dma2 semaphore(%run_scoped3A : memref<!tpu.dma_semaphore, #tpu.memory_space<semaphore_mem>>) src(%dma_wait3A_36 : memref<640x128xf32, #tpu.memory_space<vmem_shared>>) dst(%dma_wait3A_34 : memref<640x128xf32, #tpu.memory_space<hbm>>)
      tpu.yield
    }) : () -> ()
    return
  }
}

module attributes {stable_mosaic.version = 14 : i64} {
  func.func @_t1_body(%arg0: i32, %arg1: memref<1000x128xf32, #tpu.memory_space<vmem>>, %arg2: memref<128x128xf32, #tpu.memory_space<vmem>>, %arg3: memref<1000x1xf32, #tpu.memory_space<vmem>>, %arg4: memref<1000x128xf32, #tpu.memory_space<vmem>>) attributes {dimension_semantics = [#tpu.dimension_semantics<arbitrary>], iteration_bounds = array<i64: 10>, scalar_prefetch = 0 : i64, scratch_operands = 0 : i64, tpu.core_type = #tpu.core_type<tc>, window_params = [{transform_indices = @transform_0, window_bounds = array<i64: 1000, 128>}, {pipeline_mode = #tpu.pipeline_mode<synchronous>, transform_indices = @transform_1, window_bounds = array<i64: 128, 128>}, {transform_indices = @transform_2, window_bounds = array<i64: 1000, 1>}, {transform_indices = @transform_3, window_bounds = array<i64: 1000, 128>}]} {
    %get3A = arith.constant 0 : index
    %get3A_0 = arith.constant 0 : index
    %get3A_1 = vector.load %arg1[%get3A, %get3A_0] : memref<1000x128xf32, #tpu.memory_space<vmem>>, vector<1000x128xf32>
    %get3A_2 = arith.constant 0 : index
    %get3A_3 = arith.constant 0 : index
    %get3A_4 = vector.load %arg2[%get3A_2, %get3A_3] : memref<128x128xf32, #tpu.memory_space<vmem>>, vector<128x128xf32>
    %dot_general3A = arith.constant dense<0.000000e+00> : vector<1000x128xf32>
    %dot_general3A_5 = tpu.matmul %get3A_1, %get3A_4, %dot_general3A {dimension_numbers = #tpu.dot_dimension_numbers<[1], [0], [0], [1], [0, 0, 1, 1], [], []>, transpose_lhs_hint = false} : vector<1000x128xf32>, vector<128x128xf32>, vector<1000x128xf32> -> vector<1000x128xf32>
    %get3A_6 = arith.constant 0 : index
    %get3A_7 = arith.constant 0 : index
    %get3A_8 = vector.load %arg3[%get3A_6, %get3A_7] : memref<1000x1xf32, #tpu.memory_space<vmem>>, vector<1000x1xf32>
    %mul3A = vector.broadcast %get3A_8 : vector<1000x1xf32> to vector<1000x128xf32>
    %mul3A_9 = arith.mulf %mul3A, %dot_general3A_5 : vector<1000x128xf32>
    %swap3A = arith.constant 0 : index
    %swap3A_10 = arith.constant 0 : index
    %swap3A_11 = vector.load %arg4[%swap3A, %swap3A_10] : memref<1000x128xf32, #tpu.memory_space<vmem>>, vector<1000x128xf32>
    tpu.vector_store %arg4[%swap3A, %swap3A_10], %mul3A_9 {strides = array<i32>} : memref<1000x128xf32, #tpu.memory_space<vmem>>, vector<1000x128xf32>,
    return
  }
  func.func @transform_0(%arg0: i32) -> (i32, i32) {
    %c0_i32 = arith.constant 0 : i32
    %c0_i32_0 = arith.constant 0 : i32
    return %arg0, %c0_i32 : i32, i32
  }
  func.func @transform_1(%arg0: i32) -> (i32, i32) {
    %c0_i32 = arith.constant 0 : i32
    %c0_i32_0 = arith.constant 0 : i32
    %c0_i32_1 = arith.constant 0 : i32
    return %c0_i32, %c0_i32_0 : i32, i32
  }
  func.func @transform_2(%arg0: i32) -> (i32, i32) {
    %c0_i32 = arith.constant 0 : i32
    %c0_i32_0 = arith.constant 0 : i32
    return %arg0, %c0_i32 : i32, i32
  }
  func.func @transform_3(%arg0: i32) -> (i32, i32) {
    %c0_i32 = arith.constant 0 : i32
    %c0_i32_0 = arith.constant 0 : i32
    return %arg0, %c0_i32 : i32, i32
  }
}

module attributes {stable_mosaic.version = 14 : i64} {
  func.func @_t2_body(%arg0: i32, %arg1: memref<1000x128xf32, #tpu.memory_space<vmem>>, %arg2: memref<1000x128xf32, #tpu.memory_space<vmem>>, %arg3: memref<1000x1xf32, #tpu.memory_space<vmem>>, %arg4: memref<1x128xf32, #tpu.memory_space<vmem>>, %arg5: memref<128x128xf32, #tpu.memory_space<vmem>>, %arg6: memref<1000x128xf32, #tpu.memory_space<vmem>>) attributes {dimension_semantics = [#tpu.dimension_semantics<arbitrary>], iteration_bounds = array<i64: 10>, scalar_prefetch = 0 : i64, scratch_operands = 0 : i64, tpu.core_type = #tpu.core_type<tc>, window_params = [{transform_indices = @transform_0, window_bounds = array<i64: 1000, 128>}, {transform_indices = @transform_1, window_bounds = array<i64: 1000, 128>}, {transform_indices = @transform_2, window_bounds = array<i64: 1000, 1>}, {pipeline_mode = #tpu.pipeline_mode<synchronous>, transform_indices = @transform_3, window_bounds = array<i64: 1, 128>}, {pipeline_mode = #tpu.pipeline_mode<synchronous>, transform_indices = @transform_4, window_bounds = array<i64: 128, 128>}, {transform_indices = @transform_5, window_bounds = array<i64: 1000, 128>}]} {
    %get3A = arith.constant 0 : index
    %get3A_0 = arith.constant 0 : index
    %get3A_1 = vector.load %arg3[%get3A, %get3A_0] : memref<1000x1xf32, #tpu.memory_space<vmem>>, vector<1000x1xf32>
    %get3A_2 = arith.constant 0 : index
    %get3A_3 = arith.constant 0 : index
    %get3A_4 = vector.load %arg1[%get3A_2, %get3A_3] : memref<1000x128xf32, #tpu.memory_space<vmem>>, vector<1000x128xf32>
    %get3A_5 = arith.constant 0 : index
    %get3A_6 = arith.constant 0 : index
    %get3A_7 = vector.load %arg2[%get3A_5, %get3A_6] : memref<1000x128xf32, #tpu.memory_space<vmem>>, vector<1000x128xf32>
    %add3A = arith.addf %get3A_4, %get3A_7 : vector<1000x128xf32>
    %mul3A = vector.broadcast %get3A_1 : vector<1000x1xf32> to vector<1000x128xf32>
    %mul3A_8 = arith.mulf %mul3A, %add3A : vector<1000x128xf32>
    %get3A_9 = arith.constant 0 : index
    %get3A_10 = arith.constant 0 : index
    %get3A_11 = vector.load %arg4[%get3A_9, %get3A_10] : memref<1x128xf32, #tpu.memory_space<vmem>>, vector<1x128xf32>
    %add3A_12 = vector.broadcast %get3A_11 : vector<1x128xf32> to vector<1000x128xf32>
    %add3A_13 = arith.addf %mul3A_8, %add3A_12 : vector<1000x128xf32>
    %max3A = arith.constant 0.000000e+00 : f32
    %max3A_14 = vector.broadcast %max3A : f32 to vector<1000x128xf32>
    %max3A_15 = arith.maximumf %add3A_13, %max3A_14 : vector<1000x128xf32>
    %get3A_16 = arith.constant 0 : index
    %get3A_17 = arith.constant 0 : index
    %get3A_18 = vector.load %arg5[%get3A_16, %get3A_17] : memref<128x128xf32, #tpu.memory_space<vmem>>, vector<128x128xf32>
    %dot_general3A = arith.constant dense<0.000000e+00> : vector<1000x128xf32>
    %dot_general3A_19 = tpu.matmul %max3A_15, %get3A_18, %dot_general3A {dimension_numbers = #tpu.dot_dimension_numbers<[1], [0], [0], [1], [0, 0, 1, 1], [], []>, transpose_lhs_hint = false} : vector<1000x128xf32>, vector<128x128xf32>, vector<1000x128xf32> -> vector<1000x128xf32>
    %mul3A_20 = vector.broadcast %get3A_1 : vector<1000x1xf32> to vector<1000x128xf32>
    %mul3A_21 = arith.mulf %mul3A_20, %dot_general3A_19 : vector<1000x128xf32>
    %swap3A = arith.constant 0 : index
    %swap3A_22 = arith.constant 0 : index
    %swap3A_23 = vector.load %arg6[%swap3A, %swap3A_22] : memref<1000x128xf32, #tpu.memory_space<vmem>>, vector<1000x128xf32>
    tpu.vector_store %arg6[%swap3A, %swap3A_22], %mul3A_21 {strides = array<i32>} : memref<1000x128xf32, #tpu.memory_space<vmem>>, vector<1000x128xf32>,
    return
  }
  func.func @transform_0(%arg0: i32) -> (i32, i32) {
    %c0_i32 = arith.constant 0 : i32
    %c0_i32_0 = arith.constant 0 : i32
    return %arg0, %c0_i32 : i32, i32
  }
  func.func @transform_1(%arg0: i32) -> (i32, i32) {
    %c0_i32 = arith.constant 0 : i32
    %c0_i32_0 = arith.constant 0 : i32
    return %arg0, %c0_i32 : i32, i32
  }
  func.func @transform_2(%arg0: i32) -> (i32, i32) {
    %c0_i32 = arith.constant 0 : i32
    %c0_i32_0 = arith.constant 0 : i32
    return %arg0, %c0_i32 : i32, i32
  }
  func.func @transform_3(%arg0: i32) -> (i32, i32) {
    %c0_i32 = arith.constant 0 : i32
    %c0_i32_0 = arith.constant 0 : i32
    %c0_i32_1 = arith.constant 0 : i32
    return %c0_i32, %c0_i32_0 : i32, i32
  }
  func.func @transform_4(%arg0: i32) -> (i32, i32) {
    %c0_i32 = arith.constant 0 : i32
    %c0_i32_0 = arith.constant 0 : i32
    %c0_i32_1 = arith.constant 0 : i32
    return %c0_i32, %c0_i32_0 : i32, i32
  }
  func.func @transform_5(%arg0: i32) -> (i32, i32) {
    %c0_i32 = arith.constant 0 : i32
    %c0_i32_0 = arith.constant 0 : i32
    return %arg0, %c0_i32 : i32, i32
  }
}

module attributes {stable_mosaic.version = 14 : i64} {
  func.func @_t3_body(%arg0: i32, %arg1: memref<1000x128xf32, #tpu.memory_space<vmem>>, %arg2: memref<1000x128xf32, #tpu.memory_space<vmem>>, %arg3: memref<1000x1xf32, #tpu.memory_space<vmem>>, %arg4: memref<1x128xf32, #tpu.memory_space<vmem>>, %arg5: memref<128x40xf32, #tpu.memory_space<vmem>>, %arg6: memref<1x40xf32, #tpu.memory_space<vmem>>, %arg7: memref<1000x40xf32, #tpu.memory_space<vmem>>) attributes {dimension_semantics = [#tpu.dimension_semantics<arbitrary>], iteration_bounds = array<i64: 10>, scalar_prefetch = 0 : i64, scratch_operands = 0 : i64, tpu.core_type = #tpu.core_type<tc>, window_params = [{transform_indices = @transform_0, window_bounds = array<i64: 1000, 128>}, {transform_indices = @transform_1, window_bounds = array<i64: 1000, 128>}, {transform_indices = @transform_2, window_bounds = array<i64: 1000, 1>}, {pipeline_mode = #tpu.pipeline_mode<synchronous>, transform_indices = @transform_3, window_bounds = array<i64: 1, 128>}, {pipeline_mode = #tpu.pipeline_mode<synchronous>, transform_indices = @transform_4, window_bounds = array<i64: 128, 40>}, {pipeline_mode = #tpu.pipeline_mode<synchronous>, transform_indices = @transform_5, window_bounds = array<i64: 1, 40>}, {transform_indices = @transform_6, window_bounds = array<i64: 1000, 40>}]} {
    %get3A = arith.constant 0 : index
    %get3A_0 = arith.constant 0 : index
    %get3A_1 = vector.load %arg3[%get3A, %get3A_0] : memref<1000x1xf32, #tpu.memory_space<vmem>>, vector<1000x1xf32>
    %get3A_2 = arith.constant 0 : index
    %get3A_3 = arith.constant 0 : index
    %get3A_4 = vector.load %arg1[%get3A_2, %get3A_3] : memref<1000x128xf32, #tpu.memory_space<vmem>>, vector<1000x128xf32>
    %get3A_5 = arith.constant 0 : index
    %get3A_6 = arith.constant 0 : index
    %get3A_7 = vector.load %arg2[%get3A_5, %get3A_6] : memref<1000x128xf32, #tpu.memory_space<vmem>>, vector<1000x128xf32>
    %add3A = arith.addf %get3A_4, %get3A_7 : vector<1000x128xf32>
    %mul3A = vector.broadcast %get3A_1 : vector<1000x1xf32> to vector<1000x128xf32>
    %mul3A_8 = arith.mulf %mul3A, %add3A : vector<1000x128xf32>
    %get3A_9 = arith.constant 0 : index
    %get3A_10 = arith.constant 0 : index
    %get3A_11 = vector.load %arg4[%get3A_9, %get3A_10] : memref<1x128xf32, #tpu.memory_space<vmem>>, vector<1x128xf32>
    %add3A_12 = vector.broadcast %get3A_11 : vector<1x128xf32> to vector<1000x128xf32>
    %add3A_13 = arith.addf %mul3A_8, %add3A_12 : vector<1000x128xf32>
    %max3A = arith.constant 0.000000e+00 : f32
    %max3A_14 = vector.broadcast %max3A : f32 to vector<1000x128xf32>
    %max3A_15 = arith.maximumf %add3A_13, %max3A_14 : vector<1000x128xf32>
    %get3A_16 = arith.constant 0 : index
    %get3A_17 = arith.constant 0 : index
    %get3A_18 = vector.load %arg5[%get3A_16, %get3A_17] : memref<128x40xf32, #tpu.memory_space<vmem>>, vector<128x40xf32>
    %dot_general3A = arith.constant dense<0.000000e+00> : vector<1000x40xf32>
    %dot_general3A_19 = tpu.matmul %max3A_15, %get3A_18, %dot_general3A {dimension_numbers = #tpu.dot_dimension_numbers<[1], [0], [0], [1], [0, 0, 1, 1], [], []>, transpose_lhs_hint = false} : vector<1000x128xf32>, vector<128x40xf32>, vector<1000x40xf32> -> vector<1000x40xf32>
    %get3A_20 = arith.constant 0 : index
    %get3A_21 = arith.constant 0 : index
    %get3A_22 = vector.load %arg6[%get3A_20, %get3A_21] : memref<1x40xf32, #tpu.memory_space<vmem>>, vector<1x40xf32>
    %add3A_23 = vector.broadcast %get3A_22 : vector<1x40xf32> to vector<1000x40xf32>
    %add3A_24 = arith.addf %dot_general3A_19, %add3A_23 : vector<1000x40xf32>
    %swap3A = arith.constant 0 : index
    %swap3A_25 = arith.constant 0 : index
    %swap3A_26 = vector.load %arg7[%swap3A, %swap3A_25] : memref<1000x40xf32, #tpu.memory_space<vmem>>, vector<1000x40xf32>
    tpu.vector_store %arg7[%swap3A, %swap3A_25], %add3A_24 {strides = array<i32>} : memref<1000x40xf32, #tpu.memory_space<vmem>>, vector<1000x40xf32>,
    return
  }
  func.func @transform_0(%arg0: i32) -> (i32, i32) {
    %c0_i32 = arith.constant 0 : i32
    %c0_i32_0 = arith.constant 0 : i32
    return %arg0, %c0_i32 : i32, i32
  }
  func.func @transform_1(%arg0: i32) -> (i32, i32) {
    %c0_i32 = arith.constant 0 : i32
    %c0_i32_0 = arith.constant 0 : i32
    return %arg0, %c0_i32 : i32, i32
  }
  func.func @transform_2(%arg0: i32) -> (i32, i32) {
    %c0_i32 = arith.constant 0 : i32
    %c0_i32_0 = arith.constant 0 : i32
    return %arg0, %c0_i32 : i32, i32
  }
  func.func @transform_3(%arg0: i32) -> (i32, i32) {
    %c0_i32 = arith.constant 0 : i32
    %c0_i32_0 = arith.constant 0 : i32
    %c0_i32_1 = arith.constant 0 : i32
    return %c0_i32, %c0_i32_0 : i32, i32
  }
  func.func @transform_4(%arg0: i32) -> (i32, i32) {
    %c0_i32 = arith.constant 0 : i32
    %c0_i32_0 = arith.constant 0 : i32
    %c0_i32_1 = arith.constant 0 : i32
    return %c0_i32, %c0_i32_0 : i32, i32
  }
  func.func @transform_5(%arg0: i32) -> (i32, i32) {
    %c0_i32 = arith.constant 0 : i32
    %c0_i32_0 = arith.constant 0 : i32
    %c0_i32_1 = arith.constant 0 : i32
    return %c0_i32, %c0_i32_0 : i32, i32
  }
  func.func @transform_6(%arg0: i32) -> (i32, i32) {
    %c0_i32 = arith.constant 0 : i32
    %c0_i32_0 = arith.constant 0 : i32
    return %arg0, %c0_i32 : i32, i32
  }
}

</mosaic_0001>

<sc_bundles>
// kernel: kernel.11.cloned.1.call-start
scs
__scs_entry_jumppad:
0x0: {  	(pc) =	sbr.rel $0x88, $3  }
0x1: {  	(tag) =	ssettag $0x0;
	lr =	simm.s32 $0x1  }
0x2: {  	[smem:$0x3F99] =	sst lr;
	_ =	strace $0xD0000000  }
0x3: {  	_ = 	snop  }
0x4: {  	_ = 	snop  }
0x5: {  	_ = 	snop  }
0x6: {  	_ = 	snop  }
0x7: {  	_ = 	snop  }
__scs_overlays_trampoline_lowered:
0x8: {  	[smem:$0x3FA8] =	sst s0  }
0x9: {  	[smem:$0x3FA9] =	sst s1  }
0xa: {  	[smem:$0x3FAA] =	sst s2  }
0xb: {  	[smem:$0x3FAB] =	sst s3  }
0xc: {  	[smem:$0x3FAC] =	sst s4  }
0xd: {  	[smem:$0x3FAD] =	sst s5  }
0xe: {  	[smem:$0x3FAE] =	sst s6  }
0xf: {  	[smem:$0x3FAF] =	sst s7  }
0x10: {  	[smem:$0x3FB0] =	sst s8  }
0x11: {  	[smem:$0x3FB1] =	sst s9;
	s0 =	simm.s32 @!p0 $0x0  }
0x12: {  	s1 =	sld [smem:$0x3F97];
	s0 =	simm.s32 @p0 $0x1  }
0x13: {  	[smem:$0x3FB2] =	sst s0;
	s0 =	simm.s32 @!p1 $0x0  }
0x14: {  	s2 =	sld [smem:$0x3F96];
	s0 =	simm.s32 @p1 $0x1  }
0x15: {  	[smem:$0x3FB3] =	sst s0;
	s0 =	simm.s32 @!p2 $0x0  }
0x16: {  	s3 =	sld [smem:$0x3FDB];
	s0 =	simm.s32 @p2 $0x1  }
0x17: {  	s4 =	simm.s32 $0x1BF5;
	[smem:$0x3FB5] =	sst s0  }
0x18: {  	s0 =	sld [smem:$0x3F98];
	_ =	swait.ge [sflag:s4], $0x0  }
0x19: {  	s7 =	sld [smem:$0x3F99]  }
0x1a: {  	s8 =	sadd.s32 $0xFFFFE003, lr  }
0x1b: {  	s9 =	sadd.s32 $0xFFFFFEF7, lr;
	s5 =	simm.s32 $0xFFFFFFFF;
	p2 =	slt.u32 s8, $0xFFFFF086  }
0x1c: {  	p1 =	slt.u32 s9, $0xF7A;
	s5 =	simm.s32 @!p2 $0x0  }
0x1d: {  	s5 =	simm.s32 @p1 $0x1;
	p0 =	seq.s32 s7, s2  }
0x1e: {  	s7 =	smul.u32 @!p0 $0xF7A, s2;
	p2 =	seq.s32 @!p0 s5, $0x0  }
0x1f: {  	s9 =	smul.u32 $0xF7A, s1;
	s8 =	simm.s32 @!p0 $0x1BF5;
	p2 =	por !p2, p0  }
0x20: {  	[sflag:s8] =	ssyncset.s32 @!p0 $0xFFFFF086;
	s6 =	sadd.s32 @!p0 s3, s7;
	s7 =	simm.s32 @!p0 $0x108  }
0x21: {  	s3 =	sadd.s32 s3, s9;
	s6 =	sadd.s32 @!p0 $0x88, s6;
	s7 =	simm.s32 @p2 $0x1082  }
0x22: {  	[simem:s7], [sflag:s8] =	dma.local @!p0 [hbm:s6], $0xF7A  }
0x23: {  	s9 =	sor.u32 $0xD0000000, s2;
	s6 =	simm.s32 $0x108;
	_ =	swait.ge @!p0 [sflag:s8], $0x0  }
0x24: {  	s3 =	sadd.s32 $0x88, s3;
	s6 =	simm.s32 @!p1 $0x1082;
	[sflag:s4] =	ssyncset.s32 $0xFFFFF086  }
0x25: {  	[simem:s6], [sflag:s4] =	dma.local [hbm:s3], $0xF7A  }
0x26: {  	[smem:$0x3F99] =	sst s1;
	(tag) =	ssettag s2;
	_ =	strace s9  }
0x27: {  	s1 =	sld [smem:$0x3FA9]  }
0x28: {  	s2 =	sld [smem:$0x3FAA]  }
0x29: {  	s4 =	sld [smem:$0x3FAC]  }
0x2a: {  	p0 =	seq.s32 s5, $0x0;
	s5 =	sld [smem:$0x3FAD]  }
0x2b: {  	s6 =	sld [smem:$0x3FAE]  }
0x2c: {  	s7 =	sld [smem:$0x3FAF]  }
0x2d: {  	s3 =	simm.s32 $0x108;
	s8 =	sld [smem:$0x3FB0]  }
0x2e: {  	s3 =	simm.s32 @!p0 $0x1082;
	s9 =	sld [smem:$0x3FB1]  }
0x2f: {  	lr =	sadd.s32 s0, s3;
	s0 =	sld [smem:$0x3FA8]  }
0x30: {  	s3 =	sld [smem:$0x3FAB]  }
0x31: {  	[smem:$0x3FB4] =	sst s10  }
0x32: {  	s10 =	sld [smem:$0x3FB2];
	_ =	sdelay $0x3  }
0x33: {  	p0 =	seq.s32 s10, $0x1;
	s10 =	sld [smem:$0x3FB4];
	_ =	sdelay $0x3  }
0x34: {  	[smem:$0x3FB4] =	sst s10  }
0x35: {  	s10 =	sld [smem:$0x3FB3];
	_ =	sdelay $0x3  }
0x36: {  	p1 =	seq.s32 s10, $0x1;
	s10 =	sld [smem:$0x3FB4];
	_ =	sdelay $0x3  }
0x37: {  	[smem:$0x3FB4] =	sst s10  }
0x38: {  	s10 =	sld [smem:$0x3FB5]  }
0x39: {  	_ = 	snop;
	(pc) =	sbr.ind lr, $3  }
0x3a: {  	_ = 	snop  }
0x3b: {  	_ = 	snop  }
0x3c: {  	p2 =	seq.s32 s10, $0x1;
	s10 =	sld [smem:$0x3FB4]  }
0x3d: {  	_ =	shalt  }
0x3e: {  	_ =	shalt  }
0x3f: {  	_ =	shalt  }
0x40: {  	_ =	shalt  }
0x41: {  	_ =	shalt  }
0x42: {  	_ =	shalt  }
0x43: {  	_ =	shalt  }
0x44: {  	_ =	shalt  }
0x45: {  	_ =	shalt  }
0x46: {  	_ =	shalt  }
0x47: {  	_ =	shalt  }
0x48: {  	_ =	shalt  }
0x49: {  	_ =	shalt  }
0x4a: {  	_ =	shalt  }
0x4b: {  	_ =	shalt  }
0x4c: {  	_ =	shalt  }
0x4d: {  	_ =	shalt  }
0x4e: {  	_ =	shalt  }
0x4f: {  	_ =	shalt  }
0x50: {  	_ =	shalt  }
0x51: {  	_ =	shalt  }
0x52: {  	_ =	shalt  }
0x53: {  	_ =	shalt  }
0x54: {  	_ =	shalt  }
0x55: {  	_ =	shalt  }
0x56: {  	_ =	shalt  }
0x57: {  	_ =	shalt  }
0x58: {  	_ =	shalt  }
0x59: {  	_ =	shalt  }
0x5a: {  	_ =	shalt  }
0x5b: {  	_ =	shalt  }
0x5c: {  	_ =	shalt  }
0x5d: {  	_ =	shalt  }
0x5e: {  	_ =	shalt  }
0x5f: {  	_ =	shalt  }
0x60: {  	_ =	shalt  }
0x61: {  	_ =	shalt  }
0x62: {  	_ =	shalt  }
0x63: {  	_ =	shalt  }
0x64: {  	_ =	shalt  }
0x65: {  	_ =	shalt  }
0x66: {  	_ =	shalt  }
0x67: {  	_ =	shalt  }
0x68: {  	_ =	shalt  }
0x69: {  	_ =	shalt  }
0x6a: {  	_ =	shalt  }
0x6b: {  	_ =	shalt  }
0x6c: {  	_ =	shalt  }
0x6d: {  	_ =	shalt  }
0x6e: {  	_ =	shalt  }
0x6f: {  	_ =	shalt  }
0x70: {  	_ =	shalt  }
0x71: {  	_ =	shalt  }
0x72: {  	_ =	shalt  }
0x73: {  	_ =	shalt  }
0x74: {  	_ =	shalt  }
0x75: {  	_ =	shalt  }
0x76: {  	_ =	shalt  }
0x77: {  	_ =	shalt  }
0x78: {  	_ =	shalt  }
0x79: {  	_ =	shalt  }
0x7a: {  	_ =	shalt  }
0x7b: {  	_ =	shalt  }
0x7c: {  	_ =	shalt  }
0x7d: {  	_ =	shalt  }
0x7e: {  	_ =	shalt  }
0x7f: {  	_ =	shalt  }
0x80: {  	_ =	shalt  }
0x81: {  	_ =	shalt  }
0x82: {  	_ =	shalt  }
0x83: {  	_ =	shalt  }
0x84: {  	_ =	shalt  }
0x85: {  	_ =	shalt  }
0x86: {  	_ =	shalt  }
0x87: {  	_ =	shalt  }
.Lfunc_end0:
.L_simem_size_0:
called_computation.1_lowered:
.L_overlay_start_0:
0x88: {  	s2 =	sld [smem:$0x3FD9]  }
0x89: {  	s3 =	sld [smem:$0x3FFE];
	_ =	sdelay $0x1  }
0x8a: {  	s1 =	srdreg.scid  }
0x8b: {  	s0 =	sand.u32 $0x1, s1  }
0x8c: {  	s17 =	sshll.u32 s0, $0xA;
	s2 =	sadd.s32 s3, s2  }
0x8d: {  	s2 =	sadd.s32 s2, s17  }
0x8e: {  	[smem:$0x3FC0] =	sst s2  }
0x8f: {  	_ = 	snop  }
0x90: {  	s2 =	sld [smem:$0x3FD0];
	(tm) =	ssettm $0x1  }
0x91: {  	s18 =	sld [smem:$0x3FFB];
	_ =	sdelay $0x3  }
0x92: {  	_ =	strace s18  }
0x93: {  	s3 =	sld [smem:$0x3FFC];
	_ =	sdelay $0x3  }
0x94: {  	_ =	strace s3  }
0x95: {  	s3 =	sld [smem:$0x3FFD];
	_ =	sdelay $0x3  }
0x96: {  	_ =	strace s3  }
0x97: {  	_ =	strace $0x8FFFFFFF  }
0x98: {  	s19 =	sld [smem:$0x3FDB];
	_ =	sdelay $0x1  }
0x99: {  	s4 =	simm.s32 $_scs_section_size  }
0x9a: {  	s5 =	simm.s32 $_size__tile_overlayer_lowered;
	s6 =	simm.s32 $_tile_overlayer_lowered  }
0x9b: {  	s22 =	simm.s32 $0x1BFF;
	s21 =	sshll.u32 s6, $0x1;
	s3 =	sadd.s32 s4, s19  }
0x9c: {  	s7 =	simm.s32 $0x0;
	s20 =	sshll.u32 s5, $0x1;
	s5 =	sadd.s32 s21, s3  }
0x9d: {  	[timem:s7], [sflag:s22] =	dma.local [hbm:s5], s20  }
0x9e: {  	_ =	swait.ge [sflag:s22], s20  }
0x9f: {  	s4 =	ssub.s32 $0x0, s20;
	[sflag:s22] =	ssyncset.done $0x0  }
0xa0: {  	[sflag:s22] =	ssyncadd.s32 s4;
	_ =	sdelay $0x1  }
0xa1: {  	s23 =	simm.s32 $0x1B8B  }
0xa2: {  	_ =	swait.ge [sflag:s23], $0x1  }
0xa3: {  	[sflag:s23] =	ssyncset.done $0x0  }
0xa4: {  	s25 =	simm.s32 $0x1B8E;
	s24 =	sld [smem:$0x3FFE];
	[sflag:s23] =	ssyncadd.s32 $0xFFFFFFFF  }
0xa5: {  	s26 =	simm.s32 $execute0_lowered;
	[smem:$0x3FD2] =	sst s25  }
0xa6: {  	s5 =	sshll.u32 s26, $0x1;
	_ =	strace $0x80000049;
	[dreg:$0x1] =	wrdreg $0xFFFFFFFF  }
0xa7: {  	s28 =	simm.s32 $_size_execute0_lowered;
	s3 =	sadd.s32 s3, s5;
	[dreg:$0x0] =	wrdreg $0x0  }
0xa8: {  	s5 =	sshll.u32 s28, $0x1;
	[dreg:$0x2] =	wrdreg s3  }
0xa9: {  	[dreg:$0x3] =	wrdreg s5  }
0xaa: {  	[dreg:$0x4] =	wrdreg $0xC0  }
0xab: {  	_ =	task [dreg:s7], $0x5FFFF  }
0xac: {  	[dreg:$0x1] =	wrdreg $0xFFFFFFFF  }
0xad: {  	[dreg:$0x0] =	wrdreg $0x60  }
0xae: {  	[dreg:$0x2] =	wrdreg s24  }
0xaf: {  	[dreg:$0x3] =	wrdreg s2  }
0xb0: {  	[dreg:$0x4] =	wrdreg $0xA8000  }
0xb1: {  	[dreg:$0x5] =	wrdreg $0x9  }
0xb2: {  	_ =	task.clear_ibuf [dreg:s7], $0x6FFFF;
	_ =	strace $0x90000049  }
0xb3: {  	s29 =	simm.s32 $0x9;
	_ =	strace $0x8000004B  }
0xb4: {  	_ =	swait.ge [sflag:s29], $0x1  }
0xb5: {  	[sflag:s29] =	ssyncadd.s32 $0xFFFFFFFF  }
0xb6: {  	_ =	strace $0x9000004B  }
0xb7: {  	_ =	sfence  }
0xb8: {  	s30 =	sld [smem:$0x0];
	_ =	sdelay $0x2  }
0xb9: {  	s31 =	sshll.u32 s1, $0xD;
	s1 =	sshrl.u32 s1, $0x2  }
0xba: {  	s3 =	sand.u32 $0x4000, s31;
	s1 =	sadd.s32 s1, s30  }
0xbb: {  	s0 =	sor.u32 s3, s0;
	s1 =	sshll.u32 s1, $0x11  }
0xbc: {  	s0 =	sor.u32 s1, s0  }
0xbd: {  	s0 =	sadd.s32 $0x8F2B, s0  }
0xbe: {  	[sflag:s0] =	ssyncadd.remote.s32 $0x1  }
0xbf: {  	_ =	sfence.sel $0xFFFF  }
0xc0: {  	[dreg:$0x0] =	wrdreg $0xFFFFFFFF;
	(pc) =	sbr.abs _section_cstart, $3  }
0xc1: {  	[dreg:$0x1] =	wrdreg $0xFFFFFFFF  }
0xc2: {  	_ =	task.clear_ibuf [dreg:s7], $0x2FFFF;
	_ =	strace $0x9FFFFFFF  }
0xc3: {  	(tm) =	ssettm $0x7FFFFFFF  }
tec
execute0_lowered:
.L_overlay_start_1:
0x0: {  	(tag) =	ssettag $0x1  }
0x1: {  	s5 =	rddreg [dreg:$0x0]  }
0x2: {  	s7 =	rddreg [dreg:$0x1]  }
0x3: {  	s1 =	rddreg [dreg:$0x2]  }
0x4: {  	s2 =	srdreg.scid;
	s0 =	rddreg [dreg:$0x3];
	s3 =	simm.s32 $0x0  }
0x5: {  	s16 =	simm.s32 $0x80;
	s17 =	simm.s32 $0x2800;
	s18 =	simm.s32 $0x6800  }
0x6: {  	s19 =	simm.s32 $0x1;
	s20 =	simm.s32 $0x2;
	s21 =	simm.s32 $0x0  }
0x7: {  	s6 =	sand.u32 $0x1, s2;
	s2 =	stileid.u32;
	[smem:$0x7FF] =	sst s3  }
0x8: {  	s4 =	sadd.s32 $0xBE00, s5;
	s10 =	sadd.s32 $0x1E00, s5;
	s8 =	smul.u32 $0x140000, s6  }
0x9: {  	s11 =	sadd.s32 $0x33E00, s5;
	s9 =	smul.u32 $0x14000, s2;
	_ =	strace $0x8000004A  }
0xa: {  	s25 =	sshll.u32 s6, $0x4;
	s12 =	ssub.s32 $0x2, s6;
	s13 =	smul.u32 $0x50000, s2  }
0xb: {  	p0 =	seq.s32 s6, $0x0;
	s15 =	smul.u32 $0x2800, s2;
	s31 =	sshll.u32 s2, $0x6  }
0xc: {  	s26 =	sshrl.u32 s12, $0x1;
	s11 =	smov.u32 @p0 s4;
	s8 =	sadd.s32 s9, s8  }
0xd: {  	s9 =	sor.u32 s2, s25;
	s12 =	ssub.s32 s12, s26;
	s29 =	sshrl.u32 s13, $0x2  }
0xe: {  	s11 =	sadd.s32 s11, s15;
	s15 =	simm.s32 $0x1400;
	s28 =	smul.u32 $0x2800, s9  }
0xf: {  	s8 =	sshrl.u32 s8, $0x3;
	s9 =	smul.u32 $0x500, s9;
	s13 =	sadd.s32 s29, s1  }
0x10: {  	s14 =	sadd.s32 s8, s5;
	s13 =	sshrl.u32 s13, $0x3;
	s30 =	sshrl.u32 s28, $0x3  }
0x11: {  	s5 =	sadd.s32 s7, s9;
	s6 =	sadd.s32 s10, s9;
	s8 =	sadd.s32 $0x280, s30  }
0x12: {  	s9 =	sadd.s32 $0x5BE00, s14;
	s14 =	simm.s32 $0x3;
	s7 =	sadd.s32 s7, s8  }
0x13: {  	s8 =	sadd.s32 s10, s8;
	s10 =	smax.u32 s12, $0x1;
	s12 =	sor.u32 $0x1C03, s31  }
.LBB2_1:
0x14: {  	[spmem:s13], [sflag:s12] =	dma.local [hbm:s11], $0x2800  }
0x15: {  	_ =	swait.ge [sflag:s14], $0x2800  }
0x16: {  	[sflag:s14] =	ssyncset.done $0x0  }
0x17: {  	[sflag:s14] =	ssyncadd.s32 $0xFFFFD800  }
0x18: {  	[bflag:$0x0] =	sbarrier.arrive $0xFFFF  }
0x19: {  	[tilespmem:s3], [sflag:$0x3] =	stream.linear.gather [hbm4b:s5+s3], $0x1400, $0x38;
	[tilespmem:$0x1E800] =	vst v63  }
0x1a: {  	_ =	swait.ge [sflag:s14], $0x1400  }
0x1b: {  	[sflag:s14] =	ssyncset.done $0x0  }
0x1c: {  	[sflag:s14] =	ssyncadd.s32 $0xFFFFEC00  }
0x1d: {  	[tilespmem:s15], [sflag:$0x3] =	stream.linear.gather [hbm4b:s6+s3], $0x1400, $0x38;
	[tilespmem:$0x1E800] =	vst v63  }
0x1e: {  	_ =	swait.ge [sflag:s14], $0x1400  }
0x1f: {  	[sflag:s14] =	ssyncset.done $0x0  }
0x20: {  	s22 =	simm.s32 $0x0;
	[sflag:s14] =	ssyncadd.s32 $0xFFFFEC00  }
0x21: {  	[tilespmem:s17], [sflag:$0x1] =	stream.indirect.gather [hbm4b:s4+s16], $0x80, s22, s16, $0xb8;
	[tilespmem:$0x1E800] =	vst v63  }
0x22: {  	s29 =	simm.s32 $0x80  }
0x23: {  	[tilespmem:s18], [sflag:$0x2] =	stream.indirect.gather [hbm4b:s4+s16], $0x80, s29, s16, $0xb8;
	[tilespmem:$0x1E800] =	vst v63  }
0x24: {  	_ =	swait.ge [sflag:s19], $0x4000  }
0x25: {  	[sflag:s19] =	ssyncset.done $0x0  }
0x26: {  	s30 =	simm.s32 $0x1400;
	[sflag:s19] =	ssyncadd.s32 $0xFFFFC000  }
0x27: {  	[spmem:s1] =	stream.indirect.scatter.add.f32 [tilespmem:s17], [sflag:$0x3], $0x80, s30, s16, $0xb8;
	[tilespmem:$0x1E800] =	vst v63  }
0x28: {  	_ =	swait.ge [sflag:s14], $0x4000  }
0x29: {  	[sflag:s14] =	ssyncset.done $0x0  }
0x2a: {  	[sflag:s14] =	ssyncadd.s32 $0xFFFFC000  }
0x2b: {  	_ =	swait.ge [sflag:s20], $0x4000  }
0x2c: {  	[sflag:s20] =	ssyncset.done $0x0  }
0x2d: {  	s31 =	simm.s32 $0x1480;
	[sflag:s20] =	ssyncadd.s32 $0xFFFFC000  }
0x2e: {  	[spmem:s1] =	stream.indirect.scatter.add.f32 [tilespmem:s18], [sflag:$0x3], $0x80, s31, s16, $0xb8;
	[tilespmem:$0x1E800] =	vst v63  }
0x2f: {  	_ =	swait.ge [sflag:s14], $0x4000  }
0x30: {  	s23 =	simm.s32 $0x800;
	s22 =	simm.s32 $0x400;
	[sflag:s14] =	ssyncset.done $0x0  }
.LBB2_2:
0x31: {  	s24 =	sshra.s32 s22, $0x2  }
0x32: {  	[sflag:s14] =	ssyncadd.s32 $0xFFFFC000;
	s22 =	smov.u32 s23;
	s25 =	sadd.s32 $0x400, s23  }
0x33: {  	[tilespmem:s17], [sflag:$0x1] =	stream.indirect.gather [hbm4b:s4+s16], $0x80, s24, s16, $0xb8;
	[tilespmem:$0x1E800] =	vst v63  }
0x34: {  	p0 =	sne.s32 s23, $0x4C00;
	s23 =	sadd.s32 $0x80, s24  }
0x35: {  	[tilespmem:s18], [sflag:$0x2] =	stream.indirect.gather [hbm4b:s4+s16], $0x80, s23, s16, $0xb8;
	[tilespmem:$0x1E800] =	vst v63  }
0x36: {  	_ =	swait.ge [sflag:s19], $0x4000  }
0x37: {  	[sflag:s19] =	ssyncset.done $0x0  }
0x38: {  	s23 =	sadd.s32 $0x1400, s24;
	[sflag:s19] =	ssyncadd.s32 $0xFFFFC000  }
0x39: {  	[spmem:s1] =	stream.indirect.scatter.add.f32 [tilespmem:s17], [sflag:$0x3], $0x80, s23, s16, $0xb8;
	[tilespmem:$0x1E800] =	vst v63  }
0x3a: {  	_ =	swait.ge [sflag:s14], $0x4000  }
0x3b: {  	[sflag:s14] =	ssyncset.done $0x0  }
0x3c: {  	[sflag:s14] =	ssyncadd.s32 $0xFFFFC000  }
0x3d: {  	_ =	swait.ge [sflag:s20], $0x4000  }
.Ltmp0:
0x3e: {  	[sflag:s20] =	ssyncset.done $0x0;
	(pc) =	sbr.rel @p0 .LBB2_2-.Ltmp0, $4  }
0x3f: {  	s23 =	sadd.s32 $0x1480, s24;
	[sflag:s20] =	ssyncadd.s32 $0xFFFFC000  }
0x40: {  	[spmem:s1] =	stream.indirect.scatter.add.f32 [tilespmem:s18], [sflag:$0x3], $0x80, s23, s16, $0xb8;
	[tilespmem:$0x1E800] =	vst v63  }
0x41: {  	_ =	swait.ge [sflag:s14], $0x4000  }
0x42: {  	s23 =	smov.u32 s25;
	[sflag:s14] =	ssyncset.done $0x0  }
0x43: {  	s22 =	sshra.s32 s22, $0x2;
	[sflag:s14] =	ssyncadd.s32 $0xFFFFC000  }
0x44: {  	[tilespmem:s17], [sflag:$0x1] =	stream.indirect.gather [hbm4b:s4+s16], $0x80, s22, s16, $0xb8;
	[tilespmem:$0x1E800] =	vst v63  }
0x45: {  	s23 =	sadd.s32 $0x80, s22  }
0x46: {  	[tilespmem:s18], [sflag:$0x2] =	stream.indirect.gather [hbm4b:s4+s16], $0x80, s23, s16, $0xb8;
	[tilespmem:$0x1E800] =	vst v63  }
0x47: {  	_ =	swait.ge [sflag:s19], $0x4000  }
0x48: {  	[sflag:s19] =	ssyncset.done $0x0  }
0x49: {  	s25 =	sadd.s32 $0x1400, s22;
	[sflag:s19] =	ssyncadd.s32 $0xFFFFC000  }
0x4a: {  	[spmem:s1] =	stream.indirect.scatter.add.f32 [tilespmem:s17], [sflag:$0x3], $0x80, s25, s16, $0xb8;
	[tilespmem:$0x1E800] =	vst v63  }
0x4b: {  	_ =	swait.ge [sflag:s14], $0x4000  }
0x4c: {  	[sflag:s14] =	ssyncset.done $0x0  }
0x4d: {  	[sflag:s14] =	ssyncadd.s32 $0xFFFFC000  }
0x4e: {  	_ =	swait.ge [sflag:s20], $0x4000  }
0x4f: {  	[sflag:s20] =	ssyncset.done $0x0  }
0x50: {  	s22 =	sadd.s32 $0x1480, s22;
	[sflag:s20] =	ssyncadd.s32 $0xFFFFC000  }
0x51: {  	[spmem:s1] =	stream.indirect.scatter.add.f32 [tilespmem:s18], [sflag:$0x3], $0x80, s22, s16, $0xb8;
	[tilespmem:$0x1E800] =	vst v63  }
0x52: {  	_ =	swait.ge [sflag:s14], $0x4000  }
0x53: {  	[sflag:s14] =	ssyncset.done $0x0  }
0x54: {  	s26 =	simm.s32 $0x0;
	[sflag:s14] =	ssyncadd.s32 $0xFFFFC000  }
0x55: {  	[tilespmem:s26], [sflag:$0x3] =	stream.linear.gather [hbm4b:s7+s26], $0x1400, $0x38;
	[tilespmem:$0x1E800] =	vst v63  }
0x56: {  	_ =	swait.ge [sflag:s14], $0x1400  }
0x57: {  	[sflag:s14] =	ssyncset.done $0x0  }
0x58: {  	[sflag:s14] =	ssyncadd.s32 $0xFFFFEC00  }
0x59: {  	[tilespmem:s15], [sflag:$0x3] =	stream.linear.gather [hbm4b:s8+s26], $0x1400, $0x38;
	[tilespmem:$0x1E800] =	vst v63  }
0x5a: {  	_ =	swait.ge [sflag:s14], $0x1400  }
0x5b: {  	[sflag:s14] =	ssyncset.done $0x0  }
0x5c: {  	s28 =	simm.s32 $0x0;
	[sflag:s14] =	ssyncadd.s32 $0xFFFFEC00  }
0x5d: {  	[tilespmem:s17], [sflag:$0x1] =	stream.indirect.gather [hbm4b:s4+s16], $0x80, s28, s16, $0xb8;
	[tilespmem:$0x1E800] =	vst v63  }
0x5e: {  	s29 =	simm.s32 $0x80  }
0x5f: {  	[tilespmem:s18], [sflag:$0x2] =	stream.indirect.gather [hbm4b:s4+s16], $0x80, s29, s16, $0xb8;
	[tilespmem:$0x1E800] =	vst v63  }
0x60: {  	_ =	swait.ge [sflag:s19], $0x4000  }
0x61: {  	[sflag:s19] =	ssyncset.done $0x0  }
0x62: {  	s30 =	simm.s32 $0x1400;
	[sflag:s19] =	ssyncadd.s32 $0xFFFFC000  }
0x63: {  	[spmem:s1] =	stream.indirect.scatter.add.f32 [tilespmem:s17], [sflag:$0x3], $0x80, s30, s16, $0xb8;
	[tilespmem:$0x1E800] =	vst v63  }
0x64: {  	_ =	swait.ge [sflag:s14], $0x4000  }
0x65: {  	[sflag:s14] =	ssyncset.done $0x0  }
0x66: {  	[sflag:s14] =	ssyncadd.s32 $0xFFFFC000  }
0x67: {  	_ =	swait.ge [sflag:s20], $0x4000  }
0x68: {  	[sflag:s20] =	ssyncset.done $0x0  }
0x69: {  	s31 =	simm.s32 $0x1480;
	[sflag:s20] =	ssyncadd.s32 $0xFFFFC000  }
0x6a: {  	[spmem:s1] =	stream.indirect.scatter.add.f32 [tilespmem:s18], [sflag:$0x3], $0x80, s31, s16, $0xb8;
	[tilespmem:$0x1E800] =	vst v63  }
0x6b: {  	_ =	swait.ge [sflag:s14], $0x4000  }
0x6c: {  	s23 =	simm.s32 $0x800;
	s22 =	simm.s32 $0x400;
	[sflag:s14] =	ssyncset.done $0x0  }
.LBB2_4:
0x6d: {  	s24 =	sshra.s32 s22, $0x2  }
0x6e: {  	[sflag:s14] =	ssyncadd.s32 $0xFFFFC000;
	s22 =	smov.u32 s23;
	s25 =	sadd.s32 $0x400, s23  }
0x6f: {  	[tilespmem:s17], [sflag:$0x1] =	stream.indirect.gather [hbm4b:s4+s16], $0x80, s24, s16, $0xb8;
	[tilespmem:$0x1E800] =	vst v63  }
0x70: {  	p0 =	sne.s32 s23, $0x4C00;
	s23 =	sadd.s32 $0x80, s24  }
0x71: {  	[tilespmem:s18], [sflag:$0x2] =	stream.indirect.gather [hbm4b:s4+s16], $0x80, s23, s16, $0xb8;
	[tilespmem:$0x1E800] =	vst v63  }
0x72: {  	_ =	swait.ge [sflag:s19], $0x4000  }
0x73: {  	[sflag:s19] =	ssyncset.done $0x0  }
0x74: {  	s23 =	sadd.s32 $0x1400, s24;
	[sflag:s19] =	ssyncadd.s32 $0xFFFFC000  }
0x75: {  	[spmem:s1] =	stream.indirect.scatter.add.f32 [tilespmem:s17], [sflag:$0x3], $0x80, s23, s16, $0xb8;
	[tilespmem:$0x1E800] =	vst v63  }
0x76: {  	_ =	swait.ge [sflag:s14], $0x4000  }
0x77: {  	[sflag:s14] =	ssyncset.done $0x0  }
0x78: {  	[sflag:s14] =	ssyncadd.s32 $0xFFFFC000  }
0x79: {  	_ =	swait.ge [sflag:s20], $0x4000  }
.Ltmp1:
0x7a: {  	[sflag:s20] =	ssyncset.done $0x0;
	(pc) =	sbr.rel @p0 .LBB2_4-.Ltmp1, $4  }
0x7b: {  	s23 =	sadd.s32 $0x1480, s24;
	[sflag:s20] =	ssyncadd.s32 $0xFFFFC000  }
0x7c: {  	[spmem:s1] =	stream.indirect.scatter.add.f32 [tilespmem:s18], [sflag:$0x3], $0x80, s23, s16, $0xb8;
	[tilespmem:$0x1E800] =	vst v63  }
0x7d: {  	_ =	swait.ge [sflag:s14], $0x4000  }
0x7e: {  	s23 =	smov.u32 s25;
	[sflag:s14] =	ssyncset.done $0x0  }
0x7f: {  	s22 =	sshra.s32 s22, $0x2;
	[sflag:s14] =	ssyncadd.s32 $0xFFFFC000  }
0x80: {  	[tilespmem:s17], [sflag:$0x1] =	stream.indirect.gather [hbm4b:s4+s16], $0x80, s22, s16, $0xb8;
	[tilespmem:$0x1E800] =	vst v63  }
0x81: {  	s23 =	sadd.s32 $0x80, s22  }
0x82: {  	[tilespmem:s18], [sflag:$0x2] =	stream.indirect.gather [hbm4b:s4+s16], $0x80, s23, s16, $0xb8;
	[tilespmem:$0x1E800] =	vst v63  }
0x83: {  	_ =	swait.ge [sflag:s19], $0x4000  }
0x84: {  	[sflag:s19] =	ssyncset.done $0x0  }
0x85: {  	s31 =	sadd.s32 $0x1400, s22;
	[sflag:s19] =	ssyncadd.s32 $0xFFFFC000  }
0x86: {  	[spmem:s1] =	stream.indirect.scatter.add.f32 [tilespmem:s17], [sflag:$0x3], $0x80, s31, s16, $0xb8;
	[tilespmem:$0x1E800] =	vst v63  }
0x87: {  	_ =	swait.ge [sflag:s14], $0x4000  }
0x88: {  	[sflag:s14] =	ssyncset.done $0x0  }
0x89: {  	[sflag:s14] =	ssyncadd.s32 $0xFFFFC000  }
0x8a: {  	_ =	swait.ge [sflag:s20], $0x4000  }
0x8b: {  	[sflag:s20] =	ssyncset.done $0x0  }
0x8c: {  	s22 =	sadd.s32 $0x1480, s22;
	[sflag:s20] =	ssyncadd.s32 $0xFFFFC000  }
0x8d: {  	[spmem:s1] =	stream.indirect.scatter.add.f32 [tilespmem:s18], [sflag:$0x3], $0x80, s22, s16, $0xb8;
	[tilespmem:$0x1E800] =	vst v63  }
0x8e: {  	_ =	swait.ge [sflag:s14], $0x4000  }
0x8f: {  	s21 =	sadd.s32 $0x1, s21;
	[sflag:s14] =	ssyncset.done $0x0  }
0x90: {  	p0 =	sne.s32 s21, s10;
	[sflag:s14] =	ssyncadd.s32 $0xFFFFC000  }
.Ltmp2:
0x91: {  	[bflag:$0x0] =	sbarrier.arrive $0xFFFF;
	(pc) =	sbr.rel @p0 .LBB2_1-.Ltmp2, $4  }
0x92: {  	[hbm:s9], [sflag:s12] =	dma.local [spmem:s13], $0x2800  }
0x93: {  	_ =	swait.ge [sflag:s14], $0x2800  }
0x94: {  	[sflag:s14] =	ssyncset.done $0x0  }
0x95: {  	[sflag:s14] =	ssyncadd.s32 $0xFFFFD800  }
0x96: {  	_ =	sfence.sel $0x180000  }
0x97: {  	[bflag:$0x0] =	sbarrier.arrive $0xFFFF  }
0x98: {  	p0 =	sne.s32 s2, $0x0;
	_ =	strace $0x9000004A  }
0x99: {  	s0 =	sadd.s32 @!p0 $0x100000, s0;
	[bflag:$0x2] =	sbarrier.arrive $0xFFFF  }
0x9a: {  	[sflag:s0] =	ssyncadd.tile.s32 @!p0 $0x1;
	_ =	shalt  }
.Lfunc_end2:
_tile_overlayer_lowered:
.L_overlay_start_2:
0x9b: {  	(tag) =	ssettag $0x2  }
0x9c: {  	s0 =	rddreg [dreg:$0x0];
	s2 =	stileid.u32  }
0x9d: {  	s1 =	rddreg [dreg:$0x1];
	p0 =	sne.s32 s2, $0x0  }
0x9e: {  	s3 =	rddreg [dreg:$0x2];
	[bflag:$0x3] =	sbarrier.arrive $0xFFFF;
	s2 =	simm.s32 @!p0 $0x1C03  }
0x9f: {  	[timem:s3], [sflag:s2] =	dma.local @!p0 [hbm:s0], s1  }
0xa0: {  	s0 =	simm.s32 @!p0 $0x3  }
0xa1: {  	_ =	swait.ge @!p0 [sflag:s0], s1  }
0xa2: {  	s1 =	ssub.s32 @!p0 $0x0, s1;
	[sflag:s0] =	ssyncset.done @!p0 $0x0  }
0xa3: {  	[sflag:s0] =	ssyncadd.s32 @!p0 s1  }
0xa4: {  	[bflag:$0x3] =	sbarrier.arrive $0xFFFF  }
0xa5: {  	_ =	shalt  }

// kernel: kernel.14.cloned.1.call-start
scs
__scs_entry_jumppad:
0x0: {  	(pc) =	sbr.rel $0x88, $3  }
0x1: {  	(tag) =	ssettag $0x0;
	lr =	simm.s32 $0x1  }
0x2: {  	[smem:$0x3F99] =	sst lr;
	_ =	strace $0xD0000000  }
0x3: {  	_ = 	snop  }
0x4: {  	_ = 	snop  }
0x5: {  	_ = 	snop  }
0x6: {  	_ = 	snop  }
0x7: {  	_ = 	snop  }
__scs_overlays_trampoline_lowered:
0x8: {  	[smem:$0x3FA8] =	sst s0  }
0x9: {  	[smem:$0x3FA9] =	sst s1  }
0xa: {  	[smem:$0x3FAA] =	sst s2  }
0xb: {  	[smem:$0x3FAB] =	sst s3  }
0xc: {  	[smem:$0x3FAC] =	sst s4  }
0xd: {  	[smem:$0x3FAD] =	sst s5  }
0xe: {  	[smem:$0x3FAE] =	sst s6  }
0xf: {  	[smem:$0x3FAF] =	sst s7  }
0x10: {  	[smem:$0x3FB0] =	sst s8  }
0x11: {  	[smem:$0x3FB1] =	sst s9;
	s0 =	simm.s32 @!p0 $0x0  }
0x12: {  	s1 =	sld [smem:$0x3F97];
	s0 =	simm.s32 @p0 $0x1  }
0x13: {  	[smem:$0x3FB2] =	sst s0;
	s0 =	simm.s32 @!p1 $0x0  }
0x14: {  	s2 =	sld [smem:$0x3F96];
	s0 =	simm.s32 @p1 $0x1  }
0x15: {  	[smem:$0x3FB3] =	sst s0;
	s0 =	simm.s32 @!p2 $0x0  }
0x16: {  	s3 =	sld [smem:$0x3FDB];
	s0 =	simm.s32 @p2 $0x1  }
0x17: {  	s4 =	simm.s32 $0x1BF5;
	[smem:$0x3FB5] =	sst s0  }
0x18: {  	s0 =	sld [smem:$0x3F98];
	_ =	swait.ge [sflag:s4], $0x0  }
0x19: {  	s7 =	sld [smem:$0x3F99]  }
0x1a: {  	s8 =	sadd.s32 $0xFFFFE003, lr  }
0x1b: {  	s9 =	sadd.s32 $0xFFFFFEF7, lr;
	s5 =	simm.s32 $0xFFFFFFFF;
	p2 =	slt.u32 s8, $0xFFFFF086  }
0x1c: {  	p1 =	slt.u32 s9, $0xF7A;
	s5 =	simm.s32 @!p2 $0x0  }
0x1d: {  	s5 =	simm.s32 @p1 $0x1;
	p0 =	seq.s32 s7, s2  }
0x1e: {  	s7 =	smul.u32 @!p0 $0xF7A, s2;
	p2 =	seq.s32 @!p0 s5, $0x0  }
0x1f: {  	s9 =	smul.u32 $0xF7A, s1;
	s8 =	simm.s32 @!p0 $0x1BF5;
	p2 =	por !p2, p0  }
0x20: {  	[sflag:s8] =	ssyncset.s32 @!p0 $0xFFFFF086;
	s6 =	sadd.s32 @!p0 s3, s7;
	s7 =	simm.s32 @!p0 $0x108  }
0x21: {  	s3 =	sadd.s32 s3, s9;
	s6 =	sadd.s32 @!p0 $0x88, s6;
	s7 =	simm.s32 @p2 $0x1082  }
0x22: {  	[simem:s7], [sflag:s8] =	dma.local @!p0 [hbm:s6], $0xF7A  }
0x23: {  	s9 =	sor.u32 $0xD0000000, s2;
	s6 =	simm.s32 $0x108;
	_ =	swait.ge @!p0 [sflag:s8], $0x0  }
0x24: {  	s3 =	sadd.s32 $0x88, s3;
	s6 =	simm.s32 @!p1 $0x1082;
	[sflag:s4] =	ssyncset.s32 $0xFFFFF086  }
0x25: {  	[simem:s6], [sflag:s4] =	dma.local [hbm:s3], $0xF7A  }
0x26: {  	[smem:$0x3F99] =	sst s1;
	(tag) =	ssettag s2;
	_ =	strace s9  }
0x27: {  	s1 =	sld [smem:$0x3FA9]  }
0x28: {  	s2 =	sld [smem:$0x3FAA]  }
0x29: {  	s4 =	sld [smem:$0x3FAC]  }
0x2a: {  	p0 =	seq.s32 s5, $0x0;
	s5 =	sld [smem:$0x3FAD]  }
0x2b: {  	s6 =	sld [smem:$0x3FAE]  }
0x2c: {  	s7 =	sld [smem:$0x3FAF]  }
0x2d: {  	s3 =	simm.s32 $0x108;
	s8 =	sld [smem:$0x3FB0]  }
0x2e: {  	s3 =	simm.s32 @!p0 $0x1082;
	s9 =	sld [smem:$0x3FB1]  }
0x2f: {  	lr =	sadd.s32 s0, s3;
	s0 =	sld [smem:$0x3FA8]  }
0x30: {  	s3 =	sld [smem:$0x3FAB]  }
0x31: {  	[smem:$0x3FB4] =	sst s10  }
0x32: {  	s10 =	sld [smem:$0x3FB2];
	_ =	sdelay $0x3  }
0x33: {  	p0 =	seq.s32 s10, $0x1;
	s10 =	sld [smem:$0x3FB4];
	_ =	sdelay $0x3  }
0x34: {  	[smem:$0x3FB4] =	sst s10  }
0x35: {  	s10 =	sld [smem:$0x3FB3];
	_ =	sdelay $0x3  }
0x36: {  	p1 =	seq.s32 s10, $0x1;
	s10 =	sld [smem:$0x3FB4];
	_ =	sdelay $0x3  }
0x37: {  	[smem:$0x3FB4] =	sst s10  }
0x38: {  	s10 =	sld [smem:$0x3FB5]  }
0x39: {  	_ = 	snop;
	(pc) =	sbr.ind lr, $3  }
0x3a: {  	_ = 	snop  }
0x3b: {  	_ = 	snop  }
0x3c: {  	p2 =	seq.s32 s10, $0x1;
	s10 =	sld [smem:$0x3FB4]  }
0x3d: {  	_ =	shalt  }
0x3e: {  	_ =	shalt  }
0x3f: {  	_ =	shalt  }
0x40: {  	_ =	shalt  }
0x41: {  	_ =	shalt  }
0x42: {  	_ =	shalt  }
0x43: {  	_ =	shalt  }
0x44: {  	_ =	shalt  }
0x45: {  	_ =	shalt  }
0x46: {  	_ =	shalt  }
0x47: {  	_ =	shalt  }
0x48: {  	_ =	shalt  }
0x49: {  	_ =	shalt  }
0x4a: {  	_ =	shalt  }
0x4b: {  	_ =	shalt  }
0x4c: {  	_ =	shalt  }
0x4d: {  	_ =	shalt  }
0x4e: {  	_ =	shalt  }
0x4f: {  	_ =	shalt  }
0x50: {  	_ =	shalt  }
0x51: {  	_ =	shalt  }
0x52: {  	_ =	shalt  }
0x53: {  	_ =	shalt  }
0x54: {  	_ =	shalt  }
0x55: {  	_ =	shalt  }
0x56: {  	_ =	shalt  }
0x57: {  	_ =	shalt  }
0x58: {  	_ =	shalt  }
0x59: {  	_ =	shalt  }
0x5a: {  	_ =	shalt  }
0x5b: {  	_ =	shalt  }
0x5c: {  	_ =	shalt  }
0x5d: {  	_ =	shalt  }
0x5e: {  	_ =	shalt  }
0x5f: {  	_ =	shalt  }
0x60: {  	_ =	shalt  }
0x61: {  	_ =	shalt  }
0x62: {  	_ =	shalt  }
0x63: {  	_ =	shalt  }
0x64: {  	_ =	shalt  }
0x65: {  	_ =	shalt  }
0x66: {  	_ =	shalt  }
0x67: {  	_ =	shalt  }
0x68: {  	_ =	shalt  }
0x69: {  	_ =	shalt  }
0x6a: {  	_ =	shalt  }
0x6b: {  	_ =	shalt  }
0x6c: {  	_ =	shalt  }
0x6d: {  	_ =	shalt  }
0x6e: {  	_ =	shalt  }
0x6f: {  	_ =	shalt  }
0x70: {  	_ =	shalt  }
0x71: {  	_ =	shalt  }
0x72: {  	_ =	shalt  }
0x73: {  	_ =	shalt  }
0x74: {  	_ =	shalt  }
0x75: {  	_ =	shalt  }
0x76: {  	_ =	shalt  }
0x77: {  	_ =	shalt  }
0x78: {  	_ =	shalt  }
0x79: {  	_ =	shalt  }
0x7a: {  	_ =	shalt  }
0x7b: {  	_ =	shalt  }
0x7c: {  	_ =	shalt  }
0x7d: {  	_ =	shalt  }
0x7e: {  	_ =	shalt  }
0x7f: {  	_ =	shalt  }
0x80: {  	_ =	shalt  }
0x81: {  	_ =	shalt  }
0x82: {  	_ =	shalt  }
0x83: {  	_ =	shalt  }
0x84: {  	_ =	shalt  }
0x85: {  	_ =	shalt  }
0x86: {  	_ =	shalt  }
0x87: {  	_ =	shalt  }
.Lfunc_end0:
.L_simem_size_0:
called_computation.2_lowered:
.L_overlay_start_0:
0x88: {  	s2 =	sld [smem:$0x3FD9]  }
0x89: {  	s3 =	sld [smem:$0x3FFE];
	_ =	sdelay $0x1  }
0x8a: {  	s1 =	srdreg.scid  }
0x8b: {  	s0 =	sand.u32 $0x1, s1  }
0x8c: {  	s17 =	sshll.u32 s0, $0xA;
	s2 =	sadd.s32 s3, s2  }
0x8d: {  	s2 =	sadd.s32 s2, s17  }
0x8e: {  	[smem:$0x3FC0] =	sst s2  }
0x8f: {  	_ = 	snop  }
0x90: {  	s2 =	sld [smem:$0x3FD0];
	(tm) =	ssettm $0x1  }
0x91: {  	s18 =	sld [smem:$0x3FFB];
	_ =	sdelay $0x3  }
0x92: {  	_ =	strace s18  }
0x93: {  	s3 =	sld [smem:$0x3FFC];
	_ =	sdelay $0x3  }
0x94: {  	_ =	strace s3  }
0x95: {  	s3 =	sld [smem:$0x3FFD];
	_ =	sdelay $0x3  }
0x96: {  	_ =	strace s3  }
0x97: {  	_ =	strace $0x8FFFFFFF  }
0x98: {  	s19 =	sld [smem:$0x3FDB];
	_ =	sdelay $0x1  }
0x99: {  	s4 =	simm.s32 $_scs_section_size  }
0x9a: {  	s5 =	simm.s32 $_size__tile_overlayer_lowered;
	s6 =	simm.s32 $_tile_overlayer_lowered  }
0x9b: {  	s22 =	simm.s32 $0x1BFF;
	s21 =	sshll.u32 s6, $0x1;
	s3 =	sadd.s32 s4, s19  }
0x9c: {  	s7 =	simm.s32 $0x0;
	s20 =	sshll.u32 s5, $0x1;
	s5 =	sadd.s32 s21, s3  }
0x9d: {  	[timem:s7], [sflag:s22] =	dma.local [hbm:s5], s20  }
0x9e: {  	_ =	swait.ge [sflag:s22], s20  }
0x9f: {  	s4 =	ssub.s32 $0x0, s20;
	[sflag:s22] =	ssyncset.done $0x0  }
0xa0: {  	[sflag:s22] =	ssyncadd.s32 s4;
	_ =	sdelay $0x1  }
0xa1: {  	s23 =	simm.s32 $0x1B8B  }
0xa2: {  	_ =	swait.ge [sflag:s23], $0x1  }
0xa3: {  	[sflag:s23] =	ssyncset.done $0x0  }
0xa4: {  	s25 =	simm.s32 $0x1B8E;
	s24 =	sld [smem:$0x3FFE];
	[sflag:s23] =	ssyncadd.s32 $0xFFFFFFFF  }
0xa5: {  	s26 =	simm.s32 $execute0_lowered;
	[smem:$0x3FD2] =	sst s25  }
0xa6: {  	s5 =	sshll.u32 s26, $0x1;
	_ =	strace $0x8000004C;
	[dreg:$0x1] =	wrdreg $0xFFFFFFFF  }
0xa7: {  	s28 =	simm.s32 $_size_execute0_lowered;
	s3 =	sadd.s32 s3, s5;
	[dreg:$0x0] =	wrdreg $0x0  }
0xa8: {  	s5 =	sshll.u32 s28, $0x1;
	[dreg:$0x2] =	wrdreg s3  }
0xa9: {  	[dreg:$0x3] =	wrdreg s5  }
0xaa: {  	[dreg:$0x4] =	wrdreg $0xC0  }
0xab: {  	_ =	task [dreg:s7], $0x5FFFF  }
0xac: {  	[dreg:$0x1] =	wrdreg $0xFFFFFFFF  }
0xad: {  	[dreg:$0x0] =	wrdreg $0x60  }
0xae: {  	[dreg:$0x2] =	wrdreg s24  }
0xaf: {  	[dreg:$0x3] =	wrdreg s2  }
0xb0: {  	[dreg:$0x4] =	wrdreg $0xA8000  }
0xb1: {  	[dreg:$0x5] =	wrdreg $0x9  }
0xb2: {  	_ =	task.clear_ibuf [dreg:s7], $0x6FFFF;
	_ =	strace $0x9000004C  }
0xb3: {  	s29 =	simm.s32 $0x9;
	_ =	strace $0x8000004E  }
0xb4: {  	_ =	swait.ge [sflag:s29], $0x1  }
0xb5: {  	[sflag:s29] =	ssyncadd.s32 $0xFFFFFFFF  }
0xb6: {  	_ =	strace $0x9000004E  }
0xb7: {  	_ =	sfence  }
0xb8: {  	s30 =	sld [smem:$0x0];
	_ =	sdelay $0x2  }
0xb9: {  	s31 =	sshll.u32 s1, $0xD;
	s1 =	sshrl.u32 s1, $0x2  }
0xba: {  	s3 =	sand.u32 $0x4000, s31;
	s1 =	sadd.s32 s1, s30  }
0xbb: {  	s0 =	sor.u32 s3, s0;
	s1 =	sshll.u32 s1, $0x11  }
0xbc: {  	s0 =	sor.u32 s1, s0  }
0xbd: {  	s0 =	sadd.s32 $0x8F2B, s0  }
0xbe: {  	[sflag:s0] =	ssyncadd.remote.s32 $0x1  }
0xbf: {  	_ =	sfence.sel $0xFFFF  }
0xc0: {  	[dreg:$0x0] =	wrdreg $0xFFFFFFFF;
	(pc) =	sbr.abs _section_cstart, $3  }
0xc1: {  	[dreg:$0x1] =	wrdreg $0xFFFFFFFF  }
0xc2: {  	_ =	task.clear_ibuf [dreg:s7], $0x2FFFF;
	_ =	strace $0x9FFFFFFF  }
0xc3: {  	(tm) =	ssettm $0x7FFFFFFF  }
tec
execute0_lowered:
.L_overlay_start_1:
0x0: {  	(tag) =	ssettag $0x1  }
0x1: {  	s5 =	rddreg [dreg:$0x0]  }
0x2: {  	s7 =	rddreg [dreg:$0x1]  }
0x3: {  	s1 =	rddreg [dreg:$0x2]  }
0x4: {  	s2 =	srdreg.scid;
	s0 =	rddreg [dreg:$0x3];
	s3 =	simm.s32 $0x0  }
0x5: {  	s16 =	simm.s32 $0x80;
	s17 =	simm.s32 $0x2800;
	s18 =	simm.s32 $0x6800  }
0x6: {  	s19 =	simm.s32 $0x1;
	s20 =	simm.s32 $0x2;
	s21 =	simm.s32 $0x0  }
0x7: {  	s6 =	sand.u32 $0x1, s2;
	s2 =	stileid.u32;
	[smem:$0x7FF] =	sst s3  }
0x8: {  	s4 =	sadd.s32 $0xBE00, s5;
	s10 =	sadd.s32 $0x1E00, s5;
	s8 =	smul.u32 $0x140000, s6  }
0x9: {  	s11 =	sadd.s32 $0x33E00, s5;
	s9 =	smul.u32 $0x14000, s2;
	_ =	strace $0x8000004D  }
0xa: {  	s25 =	sshll.u32 s6, $0x4;
	s12 =	ssub.s32 $0x2, s6;
	s13 =	smul.u32 $0x50000, s2  }
0xb: {  	p0 =	seq.s32 s6, $0x0;
	s15 =	smul.u32 $0x2800, s2;
	s31 =	sshll.u32 s2, $0x6  }
0xc: {  	s26 =	sshrl.u32 s12, $0x1;
	s11 =	smov.u32 @p0 s4;
	s8 =	sadd.s32 s9, s8  }
0xd: {  	s9 =	sor.u32 s2, s25;
	s12 =	ssub.s32 s12, s26;
	s29 =	sshrl.u32 s13, $0x2  }
0xe: {  	s11 =	sadd.s32 s11, s15;
	s15 =	simm.s32 $0x1400;
	s28 =	smul.u32 $0x2800, s9  }
0xf: {  	s8 =	sshrl.u32 s8, $0x3;
	s9 =	smul.u32 $0x500, s9;
	s13 =	sadd.s32 s29, s1  }
0x10: {  	s14 =	sadd.s32 s8, s5;
	s13 =	sshrl.u32 s13, $0x3;
	s30 =	sshrl.u32 s28, $0x3  }
0x11: {  	s5 =	sadd.s32 s7, s9;
	s6 =	sadd.s32 s10, s9;
	s8 =	sadd.s32 $0x280, s30  }
0x12: {  	s9 =	sadd.s32 $0x5BE00, s14;
	s14 =	simm.s32 $0x3;
	s7 =	sadd.s32 s7, s8  }
0x13: {  	s8 =	sadd.s32 s10, s8;
	s10 =	smax.u32 s12, $0x1;
	s12 =	sor.u32 $0x1C03, s31  }
.LBB2_1:
0x14: {  	[spmem:s13], [sflag:s12] =	dma.local [hbm:s11], $0x2800  }
0x15: {  	_ =	swait.ge [sflag:s14], $0x2800  }
0x16: {  	[sflag:s14] =	ssyncset.done $0x0  }
0x17: {  	[sflag:s14] =	ssyncadd.s32 $0xFFFFD800  }
0x18: {  	[bflag:$0x0] =	sbarrier.arrive $0xFFFF  }
0x19: {  	[tilespmem:s3], [sflag:$0x3] =	stream.linear.gather [hbm4b:s5+s3], $0x1400, $0x38;
	[tilespmem:$0x1E800] =	vst v63  }
0x1a: {  	_ =	swait.ge [sflag:s14], $0x1400  }
0x1b: {  	[sflag:s14] =	ssyncset.done $0x0  }
0x1c: {  	[sflag:s14] =	ssyncadd.s32 $0xFFFFEC00  }
0x1d: {  	[tilespmem:s15], [sflag:$0x3] =	stream.linear.gather [hbm4b:s6+s3], $0x1400, $0x38;
	[tilespmem:$0x1E800] =	vst v63  }
0x1e: {  	_ =	swait.ge [sflag:s14], $0x1400  }
0x1f: {  	[sflag:s14] =	ssyncset.done $0x0  }
0x20: {  	s22 =	simm.s32 $0x0;
	[sflag:s14] =	ssyncadd.s32 $0xFFFFEC00  }
0x21: {  	[tilespmem:s17], [sflag:$0x1] =	stream.indirect.gather [hbm4b:s4+s16], $0x80, s22, s16, $0xb8;
	[tilespmem:$0x1E800] =	vst v63  }
0x22: {  	s29 =	simm.s32 $0x80  }
0x23: {  	[tilespmem:s18], [sflag:$0x2] =	stream.indirect.gather [hbm4b:s4+s16], $0x80, s29, s16, $0xb8;
	[tilespmem:$0x1E800] =	vst v63  }
0x24: {  	_ =	swait.ge [sflag:s19], $0x4000  }
0x25: {  	[sflag:s19] =	ssyncset.done $0x0  }
0x26: {  	s30 =	simm.s32 $0x1400;
	[sflag:s19] =	ssyncadd.s32 $0xFFFFC000  }
0x27: {  	[spmem:s1] =	stream.indirect.scatter.add.f32 [tilespmem:s17], [sflag:$0x3], $0x80, s30, s16, $0xb8;
	[tilespmem:$0x1E800] =	vst v63  }
0x28: {  	_ =	swait.ge [sflag:s14], $0x4000  }
0x29: {  	[sflag:s14] =	ssyncset.done $0x0  }
0x2a: {  	[sflag:s14] =	ssyncadd.s32 $0xFFFFC000  }
0x2b: {  	_ =	swait.ge [sflag:s20], $0x4000  }
0x2c: {  	[sflag:s20] =	ssyncset.done $0x0  }
0x2d: {  	s31 =	simm.s32 $0x1480;
	[sflag:s20] =	ssyncadd.s32 $0xFFFFC000  }
0x2e: {  	[spmem:s1] =	stream.indirect.scatter.add.f32 [tilespmem:s18], [sflag:$0x3], $0x80, s31, s16, $0xb8;
	[tilespmem:$0x1E800] =	vst v63  }
0x2f: {  	_ =	swait.ge [sflag:s14], $0x4000  }
0x30: {  	s23 =	simm.s32 $0x800;
	s22 =	simm.s32 $0x400;
	[sflag:s14] =	ssyncset.done $0x0  }
.LBB2_2:
0x31: {  	s24 =	sshra.s32 s22, $0x2  }
0x32: {  	[sflag:s14] =	ssyncadd.s32 $0xFFFFC000;
	s22 =	smov.u32 s23;
	s25 =	sadd.s32 $0x400, s23  }
0x33: {  	[tilespmem:s17], [sflag:$0x1] =	stream.indirect.gather [hbm4b:s4+s16], $0x80, s24, s16, $0xb8;
	[tilespmem:$0x1E800] =	vst v63  }
0x34: {  	p0 =	sne.s32 s23, $0x4C00;
	s23 =	sadd.s32 $0x80, s24  }
0x35: {  	[tilespmem:s18], [sflag:$0x2] =	stream.indirect.gather [hbm4b:s4+s16], $0x80, s23, s16, $0xb8;
	[tilespmem:$0x1E800] =	vst v63  }
0x36: {  	_ =	swait.ge [sflag:s19], $0x4000  }
0x37: {  	[sflag:s19] =	ssyncset.done $0x0  }
0x38: {  	s23 =	sadd.s32 $0x1400, s24;
	[sflag:s19] =	ssyncadd.s32 $0xFFFFC000  }
0x39: {  	[spmem:s1] =	stream.indirect.scatter.add.f32 [tilespmem:s17], [sflag:$0x3], $0x80, s23, s16, $0xb8;
	[tilespmem:$0x1E800] =	vst v63  }
0x3a: {  	_ =	swait.ge [sflag:s14], $0x4000  }
0x3b: {  	[sflag:s14] =	ssyncset.done $0x0  }
0x3c: {  	[sflag:s14] =	ssyncadd.s32 $0xFFFFC000  }
0x3d: {  	_ =	swait.ge [sflag:s20], $0x4000  }
.Ltmp0:
0x3e: {  	[sflag:s20] =	ssyncset.done $0x0;
	(pc) =	sbr.rel @p0 .LBB2_2-.Ltmp0, $4  }
0x3f: {  	s23 =	sadd.s32 $0x1480, s24;
	[sflag:s20] =	ssyncadd.s32 $0xFFFFC000  }
0x40: {  	[spmem:s1] =	stream.indirect.scatter.add.f32 [tilespmem:s18], [sflag:$0x3], $0x80, s23, s16, $0xb8;
	[tilespmem:$0x1E800] =	vst v63  }
0x41: {  	_ =	swait.ge [sflag:s14], $0x4000  }
0x42: {  	s23 =	smov.u32 s25;
	[sflag:s14] =	ssyncset.done $0x0  }
0x43: {  	s22 =	sshra.s32 s22, $0x2;
	[sflag:s14] =	ssyncadd.s32 $0xFFFFC000  }
0x44: {  	[tilespmem:s17], [sflag:$0x1] =	stream.indirect.gather [hbm4b:s4+s16], $0x80, s22, s16, $0xb8;
	[tilespmem:$0x1E800] =	vst v63  }
0x45: {  	s23 =	sadd.s32 $0x80, s22  }
0x46: {  	[tilespmem:s18], [sflag:$0x2] =	stream.indirect.gather [hbm4b:s4+s16], $0x80, s23, s16, $0xb8;
	[tilespmem:$0x1E800] =	vst v63  }
0x47: {  	_ =	swait.ge [sflag:s19], $0x4000  }
0x48: {  	[sflag:s19] =	ssyncset.done $0x0  }
0x49: {  	s25 =	sadd.s32 $0x1400, s22;
	[sflag:s19] =	ssyncadd.s32 $0xFFFFC000  }
0x4a: {  	[spmem:s1] =	stream.indirect.scatter.add.f32 [tilespmem:s17], [sflag:$0x3], $0x80, s25, s16, $0xb8;
	[tilespmem:$0x1E800] =	vst v63  }
0x4b: {  	_ =	swait.ge [sflag:s14], $0x4000  }
0x4c: {  	[sflag:s14] =	ssyncset.done $0x0  }
0x4d: {  	[sflag:s14] =	ssyncadd.s32 $0xFFFFC000  }
0x4e: {  	_ =	swait.ge [sflag:s20], $0x4000  }
0x4f: {  	[sflag:s20] =	ssyncset.done $0x0  }
0x50: {  	s22 =	sadd.s32 $0x1480, s22;
	[sflag:s20] =	ssyncadd.s32 $0xFFFFC000  }
0x51: {  	[spmem:s1] =	stream.indirect.scatter.add.f32 [tilespmem:s18], [sflag:$0x3], $0x80, s22, s16, $0xb8;
	[tilespmem:$0x1E800] =	vst v63  }
0x52: {  	_ =	swait.ge [sflag:s14], $0x4000  }
0x53: {  	[sflag:s14] =	ssyncset.done $0x0  }
0x54: {  	s26 =	simm.s32 $0x0;
	[sflag:s14] =	ssyncadd.s32 $0xFFFFC000  }
0x55: {  	[tilespmem:s26], [sflag:$0x3] =	stream.linear.gather [hbm4b:s7+s26], $0x1400, $0x38;
	[tilespmem:$0x1E800] =	vst v63  }
0x56: {  	_ =	swait.ge [sflag:s14], $0x1400  }
0x57: {  	[sflag:s14] =	ssyncset.done $0x0  }
0x58: {  	[sflag:s14] =	ssyncadd.s32 $0xFFFFEC00  }
0x59: {  	[tilespmem:s15], [sflag:$0x3] =	stream.linear.gather [hbm4b:s8+s26], $0x1400, $0x38;
	[tilespmem:$0x1E800] =	vst v63  }
0x5a: {  	_ =	swait.ge [sflag:s14], $0x1400  }
0x5b: {  	[sflag:s14] =	ssyncset.done $0x0  }
0x5c: {  	s28 =	simm.s32 $0x0;
	[sflag:s14] =	ssyncadd.s32 $0xFFFFEC00  }
0x5d: {  	[tilespmem:s17], [sflag:$0x1] =	stream.indirect.gather [hbm4b:s4+s16], $0x80, s28, s16, $0xb8;
	[tilespmem:$0x1E800] =	vst v63  }
0x5e: {  	s29 =	simm.s32 $0x80  }
0x5f: {  	[tilespmem:s18], [sflag:$0x2] =	stream.indirect.gather [hbm4b:s4+s16], $0x80, s29, s16, $0xb8;
	[tilespmem:$0x1E800] =	vst v63  }
0x60: {  	_ =	swait.ge [sflag:s19], $0x4000  }
0x61: {  	[sflag:s19] =	ssyncset.done $0x0  }
0x62: {  	s30 =	simm.s32 $0x1400;
	[sflag:s19] =	ssyncadd.s32 $0xFFFFC000  }
0x63: {  	[spmem:s1] =	stream.indirect.scatter.add.f32 [tilespmem:s17], [sflag:$0x3], $0x80, s30, s16, $0xb8;
	[tilespmem:$0x1E800] =	vst v63  }
0x64: {  	_ =	swait.ge [sflag:s14], $0x4000  }
0x65: {  	[sflag:s14] =	ssyncset.done $0x0  }
0x66: {  	[sflag:s14] =	ssyncadd.s32 $0xFFFFC000  }
0x67: {  	_ =	swait.ge [sflag:s20], $0x4000  }
0x68: {  	[sflag:s20] =	ssyncset.done $0x0  }
0x69: {  	s31 =	simm.s32 $0x1480;
	[sflag:s20] =	ssyncadd.s32 $0xFFFFC000  }
0x6a: {  	[spmem:s1] =	stream.indirect.scatter.add.f32 [tilespmem:s18], [sflag:$0x3], $0x80, s31, s16, $0xb8;
	[tilespmem:$0x1E800] =	vst v63  }
0x6b: {  	_ =	swait.ge [sflag:s14], $0x4000  }
0x6c: {  	s23 =	simm.s32 $0x800;
	s22 =	simm.s32 $0x400;
	[sflag:s14] =	ssyncset.done $0x0  }
.LBB2_4:
0x6d: {  	s24 =	sshra.s32 s22, $0x2  }
0x6e: {  	[sflag:s14] =	ssyncadd.s32 $0xFFFFC000;
	s22 =	smov.u32 s23;
	s25 =	sadd.s32 $0x400, s23  }
0x6f: {  	[tilespmem:s17], [sflag:$0x1] =	stream.indirect.gather [hbm4b:s4+s16], $0x80, s24, s16, $0xb8;
	[tilespmem:$0x1E800] =	vst v63  }
0x70: {  	p0 =	sne.s32 s23, $0x4C00;
	s23 =	sadd.s32 $0x80, s24  }
0x71: {  	[tilespmem:s18], [sflag:$0x2] =	stream.indirect.gather [hbm4b:s4+s16], $0x80, s23, s16, $0xb8;
	[tilespmem:$0x1E800] =	vst v63  }
0x72: {  	_ =	swait.ge [sflag:s19], $0x4000  }
0x73: {  	[sflag:s19] =	ssyncset.done $0x0  }
0x74: {  	s23 =	sadd.s32 $0x1400, s24;
	[sflag:s19] =	ssyncadd.s32 $0xFFFFC000  }
0x75: {  	[spmem:s1] =	stream.indirect.scatter.add.f32 [tilespmem:s17], [sflag:$0x3], $0x80, s23, s16, $0xb8;
	[tilespmem:$0x1E800] =	vst v63  }
0x76: {  	_ =	swait.ge [sflag:s14], $0x4000  }
0x77: {  	[sflag:s14] =	ssyncset.done $0x0  }
0x78: {  	[sflag:s14] =	ssyncadd.s32 $0xFFFFC000  }
0x79: {  	_ =	swait.ge [sflag:s20], $0x4000  }
.Ltmp1:
0x7a: {  	[sflag:s20] =	ssyncset.done $0x0;
	(pc) =	sbr.rel @p0 .LBB2_4-.Ltmp1, $4  }
0x7b: {  	s23 =	sadd.s32 $0x1480, s24;
	[sflag:s20] =	ssyncadd.s32 $0xFFFFC000  }
0x7c: {  	[spmem:s1] =	stream.indirect.scatter.add.f32 [tilespmem:s18], [sflag:$0x3], $0x80, s23, s16, $0xb8;
	[tilespmem:$0x1E800] =	vst v63  }
0x7d: {  	_ =	swait.ge [sflag:s14], $0x4000  }
0x7e: {  	s23 =	smov.u32 s25;
	[sflag:s14] =	ssyncset.done $0x0  }
0x7f: {  	s22 =	sshra.s32 s22, $0x2;
	[sflag:s14] =	ssyncadd.s32 $0xFFFFC000  }
0x80: {  	[tilespmem:s17], [sflag:$0x1] =	stream.indirect.gather [hbm4b:s4+s16], $0x80, s22, s16, $0xb8;
	[tilespmem:$0x1E800] =	vst v63  }
0x81: {  	s23 =	sadd.s32 $0x80, s22  }
0x82: {  	[tilespmem:s18], [sflag:$0x2] =	stream.indirect.gather [hbm4b:s4+s16], $0x80, s23, s16, $0xb8;
	[tilespmem:$0x1E800] =	vst v63  }
0x83: {  	_ =	swait.ge [sflag:s19], $0x4000  }
0x84: {  	[sflag:s19] =	ssyncset.done $0x0  }
0x85: {  	s31 =	sadd.s32 $0x1400, s22;
	[sflag:s19] =	ssyncadd.s32 $0xFFFFC000  }
0x86: {  	[spmem:s1] =	stream.indirect.scatter.add.f32 [tilespmem:s17], [sflag:$0x3], $0x80, s31, s16, $0xb8;
	[tilespmem:$0x1E800] =	vst v63  }
0x87: {  	_ =	swait.ge [sflag:s14], $0x4000  }
0x88: {  	[sflag:s14] =	ssyncset.done $0x0  }
0x89: {  	[sflag:s14] =	ssyncadd.s32 $0xFFFFC000  }
0x8a: {  	_ =	swait.ge [sflag:s20], $0x4000  }
0x8b: {  	[sflag:s20] =	ssyncset.done $0x0  }
0x8c: {  	s22 =	sadd.s32 $0x1480, s22;
	[sflag:s20] =	ssyncadd.s32 $0xFFFFC000  }
0x8d: {  	[spmem:s1] =	stream.indirect.scatter.add.f32 [tilespmem:s18], [sflag:$0x3], $0x80, s22, s16, $0xb8;
	[tilespmem:$0x1E800] =	vst v63  }
0x8e: {  	_ =	swait.ge [sflag:s14], $0x4000  }
0x8f: {  	s21 =	sadd.s32 $0x1, s21;
	[sflag:s14] =	ssyncset.done $0x0  }
0x90: {  	p0 =	sne.s32 s21, s10;
	[sflag:s14] =	ssyncadd.s32 $0xFFFFC000  }
.Ltmp2:
0x91: {  	[bflag:$0x0] =	sbarrier.arrive $0xFFFF;
	(pc) =	sbr.rel @p0 .LBB2_1-.Ltmp2, $4  }
0x92: {  	[hbm:s9], [sflag:s12] =	dma.local [spmem:s13], $0x2800  }
0x93: {  	_ =	swait.ge [sflag:s14], $0x2800  }
0x94: {  	[sflag:s14] =	ssyncset.done $0x0  }
0x95: {  	[sflag:s14] =	ssyncadd.s32 $0xFFFFD800  }
0x96: {  	_ =	sfence.sel $0x180000  }
0x97: {  	[bflag:$0x0] =	sbarrier.arrive $0xFFFF  }
0x98: {  	p0 =	sne.s32 s2, $0x0;
	_ =	strace $0x9000004D  }
0x99: {  	s0 =	sadd.s32 @!p0 $0x100000, s0;
	[bflag:$0x2] =	sbarrier.arrive $0xFFFF  }
0x9a: {  	[sflag:s0] =	ssyncadd.tile.s32 @!p0 $0x1;
	_ =	shalt  }
.Lfunc_end2:
_tile_overlayer_lowered:
.L_overlay_start_2:
0x9b: {  	(tag) =	ssettag $0x2  }
0x9c: {  	s0 =	rddreg [dreg:$0x0];
	s2 =	stileid.u32  }
0x9d: {  	s1 =	rddreg [dreg:$0x1];
	p0 =	sne.s32 s2, $0x0  }
0x9e: {  	s3 =	rddreg [dreg:$0x2];
	[bflag:$0x3] =	sbarrier.arrive $0xFFFF;
	s2 =	simm.s32 @!p0 $0x1C03  }
0x9f: {  	[timem:s3], [sflag:s2] =	dma.local @!p0 [hbm:s0], s1  }
0xa0: {  	s0 =	simm.s32 @!p0 $0x3  }
0xa1: {  	_ =	swait.ge @!p0 [sflag:s0], s1  }
0xa2: {  	s1 =	ssub.s32 @!p0 $0x0, s1;
	[sflag:s0] =	ssyncset.done @!p0 $0x0  }
0xa3: {  	[sflag:s0] =	ssyncadd.s32 @!p0 s1  }
0xa4: {  	[bflag:$0x3] =	sbarrier.arrive $0xFFFF  }
0xa5: {  	_ =	shalt  }

// kernel: kernel.8.cloned.1.call-start
scs
__scs_entry_jumppad:
0x0: {  	(pc) =	sbr.rel $0x88, $3  }
0x1: {  	(tag) =	ssettag $0x0;
	lr =	simm.s32 $0x1  }
0x2: {  	[smem:$0x3F99] =	sst lr;
	_ =	strace $0xD0000000  }
0x3: {  	_ = 	snop  }
0x4: {  	_ = 	snop  }
0x5: {  	_ = 	snop  }
0x6: {  	_ = 	snop  }
0x7: {  	_ = 	snop  }
__scs_overlays_trampoline_lowered:
0x8: {  	[smem:$0x3FA8] =	sst s0  }
0x9: {  	[smem:$0x3FA9] =	sst s1  }
0xa: {  	[smem:$0x3FAA] =	sst s2  }
0xb: {  	[smem:$0x3FAB] =	sst s3  }
0xc: {  	[smem:$0x3FAC] =	sst s4  }
0xd: {  	[smem:$0x3FAD] =	sst s5  }
0xe: {  	[smem:$0x3FAE] =	sst s6  }
0xf: {  	[smem:$0x3FAF] =	sst s7  }
0x10: {  	[smem:$0x3FB0] =	sst s8  }
0x11: {  	[smem:$0x3FB1] =	sst s9;
	s0 =	simm.s32 @!p0 $0x0  }
0x12: {  	s1 =	sld [smem:$0x3F97];
	s0 =	simm.s32 @p0 $0x1  }
0x13: {  	[smem:$0x3FB2] =	sst s0;
	s0 =	simm.s32 @!p1 $0x0  }
0x14: {  	s2 =	sld [smem:$0x3F96];
	s0 =	simm.s32 @p1 $0x1  }
0x15: {  	[smem:$0x3FB3] =	sst s0;
	s0 =	simm.s32 @!p2 $0x0  }
0x16: {  	s3 =	sld [smem:$0x3FDB];
	s0 =	simm.s32 @p2 $0x1  }
0x17: {  	s4 =	simm.s32 $0x1BF5;
	[smem:$0x3FB5] =	sst s0  }
0x18: {  	s0 =	sld [smem:$0x3F98];
	_ =	swait.ge [sflag:s4], $0x0  }
0x19: {  	s7 =	sld [smem:$0x3F99]  }
0x1a: {  	s8 =	sadd.s32 $0xFFFFE003, lr  }
0x1b: {  	s9 =	sadd.s32 $0xFFFFFEF7, lr;
	s5 =	simm.s32 $0xFFFFFFFF;
	p2 =	slt.u32 s8, $0xFFFFF086  }
0x1c: {  	p1 =	slt.u32 s9, $0xF7A;
	s5 =	simm.s32 @!p2 $0x0  }
0x1d: {  	s5 =	simm.s32 @p1 $0x1;
	p0 =	seq.s32 s7, s2  }
0x1e: {  	s7 =	smul.u32 @!p0 $0xF7A, s2;
	p2 =	seq.s32 @!p0 s5, $0x0  }
0x1f: {  	s9 =	smul.u32 $0xF7A, s1;
	s8 =	simm.s32 @!p0 $0x1BF5;
	p2 =	por !p2, p0  }
0x20: {  	[sflag:s8] =	ssyncset.s32 @!p0 $0xFFFFF086;
	s6 =	sadd.s32 @!p0 s3, s7;
	s7 =	simm.s32 @!p0 $0x108  }
0x21: {  	s3 =	sadd.s32 s3, s9;
	s6 =	sadd.s32 @!p0 $0x88, s6;
	s7 =	simm.s32 @p2 $0x1082  }
0x22: {  	[simem:s7], [sflag:s8] =	dma.local @!p0 [hbm:s6], $0xF7A  }
0x23: {  	s9 =	sor.u32 $0xD0000000, s2;
	s6 =	simm.s32 $0x108;
	_ =	swait.ge @!p0 [sflag:s8], $0x0  }
0x24: {  	s3 =	sadd.s32 $0x88, s3;
	s6 =	simm.s32 @!p1 $0x1082;
	[sflag:s4] =	ssyncset.s32 $0xFFFFF086  }
0x25: {  	[simem:s6], [sflag:s4] =	dma.local [hbm:s3], $0xF7A  }
0x26: {  	[smem:$0x3F99] =	sst s1;
	(tag) =	ssettag s2;
	_ =	strace s9  }
0x27: {  	s1 =	sld [smem:$0x3FA9]  }
0x28: {  	s2 =	sld [smem:$0x3FAA]  }
0x29: {  	s4 =	sld [smem:$0x3FAC]  }
0x2a: {  	p0 =	seq.s32 s5, $0x0;
	s5 =	sld [smem:$0x3FAD]  }
0x2b: {  	s6 =	sld [smem:$0x3FAE]  }
0x2c: {  	s7 =	sld [smem:$0x3FAF]  }
0x2d: {  	s3 =	simm.s32 $0x108;
	s8 =	sld [smem:$0x3FB0]  }
0x2e: {  	s3 =	simm.s32 @!p0 $0x1082;
	s9 =	sld [smem:$0x3FB1]  }
0x2f: {  	lr =	sadd.s32 s0, s3;
	s0 =	sld [smem:$0x3FA8]  }
0x30: {  	s3 =	sld [smem:$0x3FAB]  }
0x31: {  	[smem:$0x3FB4] =	sst s10  }
0x32: {  	s10 =	sld [smem:$0x3FB2];
	_ =	sdelay $0x3  }
0x33: {  	p0 =	seq.s32 s10, $0x1;
	s10 =	sld [smem:$0x3FB4];
	_ =	sdelay $0x3  }
0x34: {  	[smem:$0x3FB4] =	sst s10  }
0x35: {  	s10 =	sld [smem:$0x3FB3];
	_ =	sdelay $0x3  }
0x36: {  	p1 =	seq.s32 s10, $0x1;
	s10 =	sld [smem:$0x3FB4];
	_ =	sdelay $0x3  }
0x37: {  	[smem:$0x3FB4] =	sst s10  }
0x38: {  	s10 =	sld [smem:$0x3FB5]  }
0x39: {  	_ = 	snop;
	(pc) =	sbr.ind lr, $3  }
0x3a: {  	_ = 	snop  }
0x3b: {  	_ = 	snop  }
0x3c: {  	p2 =	seq.s32 s10, $0x1;
	s10 =	sld [smem:$0x3FB4]  }
0x3d: {  	_ =	shalt  }
0x3e: {  	_ =	shalt  }
0x3f: {  	_ =	shalt  }
0x40: {  	_ =	shalt  }
0x41: {  	_ =	shalt  }
0x42: {  	_ =	shalt  }
0x43: {  	_ =	shalt  }
0x44: {  	_ =	shalt  }
0x45: {  	_ =	shalt  }
0x46: {  	_ =	shalt  }
0x47: {  	_ =	shalt  }
0x48: {  	_ =	shalt  }
0x49: {  	_ =	shalt  }
0x4a: {  	_ =	shalt  }
0x4b: {  	_ =	shalt  }
0x4c: {  	_ =	shalt  }
0x4d: {  	_ =	shalt  }
0x4e: {  	_ =	shalt  }
0x4f: {  	_ =	shalt  }
0x50: {  	_ =	shalt  }
0x51: {  	_ =	shalt  }
0x52: {  	_ =	shalt  }
0x53: {  	_ =	shalt  }
0x54: {  	_ =	shalt  }
0x55: {  	_ =	shalt  }
0x56: {  	_ =	shalt  }
0x57: {  	_ =	shalt  }
0x58: {  	_ =	shalt  }
0x59: {  	_ =	shalt  }
0x5a: {  	_ =	shalt  }
0x5b: {  	_ =	shalt  }
0x5c: {  	_ =	shalt  }
0x5d: {  	_ =	shalt  }
0x5e: {  	_ =	shalt  }
0x5f: {  	_ =	shalt  }
0x60: {  	_ =	shalt  }
0x61: {  	_ =	shalt  }
0x62: {  	_ =	shalt  }
0x63: {  	_ =	shalt  }
0x64: {  	_ =	shalt  }
0x65: {  	_ =	shalt  }
0x66: {  	_ =	shalt  }
0x67: {  	_ =	shalt  }
0x68: {  	_ =	shalt  }
0x69: {  	_ =	shalt  }
0x6a: {  	_ =	shalt  }
0x6b: {  	_ =	shalt  }
0x6c: {  	_ =	shalt  }
0x6d: {  	_ =	shalt  }
0x6e: {  	_ =	shalt  }
0x6f: {  	_ =	shalt  }
0x70: {  	_ =	shalt  }
0x71: {  	_ =	shalt  }
0x72: {  	_ =	shalt  }
0x73: {  	_ =	shalt  }
0x74: {  	_ =	shalt  }
0x75: {  	_ =	shalt  }
0x76: {  	_ =	shalt  }
0x77: {  	_ =	shalt  }
0x78: {  	_ =	shalt  }
0x79: {  	_ =	shalt  }
0x7a: {  	_ =	shalt  }
0x7b: {  	_ =	shalt  }
0x7c: {  	_ =	shalt  }
0x7d: {  	_ =	shalt  }
0x7e: {  	_ =	shalt  }
0x7f: {  	_ =	shalt  }
0x80: {  	_ =	shalt  }
0x81: {  	_ =	shalt  }
0x82: {  	_ =	shalt  }
0x83: {  	_ =	shalt  }
0x84: {  	_ =	shalt  }
0x85: {  	_ =	shalt  }
0x86: {  	_ =	shalt  }
0x87: {  	_ =	shalt  }
.Lfunc_end0:
.L_simem_size_0:
called_computation_lowered:
.L_overlay_start_0:
0x88: {  	s2 =	sld [smem:$0x3FD9]  }
0x89: {  	s3 =	sld [smem:$0x3FFE];
	_ =	sdelay $0x1  }
0x8a: {  	s1 =	srdreg.scid  }
0x8b: {  	s0 =	sand.u32 $0x1, s1  }
0x8c: {  	s16 =	sshll.u32 s0, $0xA;
	s2 =	sadd.s32 s3, s2  }
0x8d: {  	s2 =	sadd.s32 s2, s16  }
0x8e: {  	[smem:$0x3FC0] =	sst s2  }
0x8f: {  	_ = 	snop  }
0x90: {  	(tm) =	ssettm $0x1  }
0x91: {  	s17 =	sld [smem:$0x3FFB];
	_ =	sdelay $0x3  }
0x92: {  	_ =	strace s17  }
0x93: {  	s2 =	sld [smem:$0x3FFC];
	_ =	sdelay $0x3  }
0x94: {  	_ =	strace s2  }
0x95: {  	s2 =	sld [smem:$0x3FFD];
	_ =	sdelay $0x3  }
0x96: {  	_ =	strace s2  }
0x97: {  	_ =	strace $0x8FFFFFFF  }
0x98: {  	s18 =	sld [smem:$0x3FDB];
	_ =	sdelay $0x1  }
0x99: {  	s19 =	simm.s32 $_scs_section_size  }
0x9a: {  	s4 =	simm.s32 $_size__tile_overlayer_lowered;
	s5 =	simm.s32 $_tile_overlayer_lowered  }
0x9b: {  	s22 =	simm.s32 $0x1BFF;
	s21 =	sshll.u32 s5, $0x1;
	s2 =	sadd.s32 s19, s18  }
0x9c: {  	s6 =	simm.s32 $0x0;
	s20 =	sshll.u32 s4, $0x1;
	s4 =	sadd.s32 s21, s2  }
0x9d: {  	[timem:s6], [sflag:s22] =	dma.local [hbm:s4], s20  }
0x9e: {  	_ =	swait.ge [sflag:s22], s20  }
0x9f: {  	s3 =	ssub.s32 $0x0, s20;
	[sflag:s22] =	ssyncset.done $0x0  }
0xa0: {  	[sflag:s22] =	ssyncadd.s32 s3;
	_ =	sdelay $0x1  }
0xa1: {  	s23 =	simm.s32 $0x1B8B  }
0xa2: {  	_ =	swait.ge [sflag:s23], $0x1  }
0xa3: {  	[sflag:s23] =	ssyncset.done $0x0  }
0xa4: {  	s25 =	simm.s32 $0x1B8E;
	s24 =	sld [smem:$0x3FFE];
	[sflag:s23] =	ssyncadd.s32 $0xFFFFFFFF  }
0xa5: {  	s26 =	simm.s32 $execute0_lowered;
	[smem:$0x3FD2] =	sst s25  }
0xa6: {  	s4 =	sshll.u32 s26, $0x1;
	_ =	strace $0x80000046;
	[dreg:$0x1] =	wrdreg $0xFFFFFFFF  }
0xa7: {  	s28 =	simm.s32 $_size_execute0_lowered;
	s2 =	sadd.s32 s2, s4;
	[dreg:$0x0] =	wrdreg $0x0  }
0xa8: {  	s4 =	sshll.u32 s28, $0x1;
	[dreg:$0x2] =	wrdreg s2  }
0xa9: {  	[dreg:$0x3] =	wrdreg s4  }
0xaa: {  	[dreg:$0x4] =	wrdreg $0xC0  }
0xab: {  	_ =	task [dreg:s6], $0x5FFFF  }
0xac: {  	[dreg:$0x1] =	wrdreg $0xFFFFFFFF  }
0xad: {  	[dreg:$0x0] =	wrdreg $0x60  }
0xae: {  	[dreg:$0x2] =	wrdreg s24  }
0xaf: {  	[dreg:$0x3] =	wrdreg $0x30000  }
0xb0: {  	[dreg:$0x4] =	wrdreg $0x9  }
0xb1: {  	_ =	task.clear_ibuf [dreg:s6], $0x5FFFF;
	_ =	strace $0x90000046  }
0xb2: {  	s29 =	simm.s32 $0x9;
	_ =	strace $0x80000048  }
0xb3: {  	_ =	swait.ge [sflag:s29], $0x1  }
0xb4: {  	[sflag:s29] =	ssyncadd.s32 $0xFFFFFFFF  }
0xb5: {  	_ =	strace $0x90000048  }
0xb6: {  	_ =	sfence  }
0xb7: {  	s30 =	sld [smem:$0x0];
	_ =	sdelay $0x2  }
0xb8: {  	s31 =	sshll.u32 s1, $0xD;
	s1 =	sshrl.u32 s1, $0x2  }
0xb9: {  	s3 =	sand.u32 $0x4000, s31;
	s1 =	sadd.s32 s1, s30  }
0xba: {  	s0 =	sor.u32 s3, s0;
	s1 =	sshll.u32 s1, $0x11  }
0xbb: {  	s0 =	sor.u32 s1, s0  }
0xbc: {  	s0 =	sadd.s32 $0x8F2B, s0  }
0xbd: {  	[sflag:s0] =	ssyncadd.remote.s32 $0x1  }
0xbe: {  	_ =	sfence.sel $0xFFFF  }
0xbf: {  	[dreg:$0x0] =	wrdreg $0xFFFFFFFF;
	(pc) =	sbr.abs _section_cstart, $3  }
0xc0: {  	[dreg:$0x1] =	wrdreg $0xFFFFFFFF  }
0xc1: {  	_ =	task.clear_ibuf [dreg:s6], $0x2FFFF;
	_ =	strace $0x9FFFFFFF  }
0xc2: {  	(tm) =	ssettm $0x7FFFFFFF  }
0xc3: {  	_ =	shalt  }
tec
execute0_lowered:
.L_overlay_start_1:
0x0: {  	(tag) =	ssettag $0x1  }
0x1: {  	s6 =	rddreg [dreg:$0x0]  }
0x2: {  	s0 =	srdreg.scid;
	s2 =	rddreg [dreg:$0x1]  }
0x3: {  	s3 =	simm.s32 $0x0;
	s5 =	sand.u32 $0x1, s0;
	s0 =	stileid.u32  }
0x4: {  	s13 =	simm.s32 $0x80;
	s14 =	simm.s32 $0x0;
	s7 =	smul.u32 $0x2800, s0  }
0x5: {  	[smem:$0x7FF] =	sst s3;
	s1 =	sshll.u32 s5, $0x4;
	s8 =	smul.u32 $0x28000, s5  }
0x6: {  	s5 =	ssub.s32 $0x2, s5;
	s31 =	sshll.u32 s0, $0x6;
	s1 =	sor.u32 s0, s1  }
0x7: {  	s11 =	sshrl.u32 s5, $0x1;
	s4 =	smul.u32 $0x500, s1;
	s1 =	rddreg [dreg:$0x2]  }
0x8: {  	_ =	strace $0x80000047;
	s8 =	sadd.s32 s7, s8;
	s10 =	sshrl.u32 s7, $0x3  }
0x9: {  	s11 =	ssub.s32 s5, s11;
	s12 =	sadd.s32 s7, s2;
	s8 =	sshrl.u32 s8, $0x3  }
0xa: {  	s10 =	sadd.s32 s10, s6;
	s12 =	sshrl.u32 s12, $0x3;
	s9 =	sadd.s32 s4, s6  }
0xb: {  	s4 =	sadd.s32 $0x10E00, s6;
	s8 =	sadd.s32 s8, s6;
	s6 =	sadd.s32 $0xBE00, s10  }
0xc: {  	s10 =	simm.s32 $0x1;
	s5 =	sadd.s32 $0x1E00, s9;
	s7 =	sadd.s32 $0x11000, s8  }
0xd: {  	s8 =	smax.u32 s11, $0x1;
	s9 =	simm.s32 $0x2800;
	s11 =	sor.u32 $0x1C01, s31  }
.LBB2_1:
0xe: {  	[tilespmem:s9], [sflag:$0x1] =	stream.linear.gather [hbm4b:s4+s3], $0x800, $0x38;
	[tilespmem:$0x5800] =	vst v63  }
0xf: {  	_ =	swait.ge [sflag:s10], $0x800  }
0x10: {  	[sflag:s10] =	ssyncset.done $0x0  }
0x11: {  	[sflag:s10] =	ssyncadd.s32 $0xFFFFF800  }
0x12: {  	[tilespmem:s3], [sflag:$0x1] =	stream.linear.gather [hbm4b:s5+s3], $0x2800, $0x38;
	[tilespmem:$0x5800] =	vst v63  }
0x13: {  	_ =	swait.ge [sflag:s10], $0x2800  }
0x14: {  	[sflag:s10] =	ssyncset.done $0x0  }
0x15: {  	[sflag:s10] =	ssyncadd.s32 $0xFFFFD800  }
0x16: {  	[spmem:s12], [sflag:s11] =	dma.local [hbm:s6], $0x500  }
0x17: {  	_ =	swait.ge [sflag:s10], $0x500  }
0x18: {  	[sflag:s10] =	ssyncset.done $0x0  }
0x19: {  	[sflag:s10] =	ssyncadd.s32 $0xFFFFFB00  }
0x1a: {  	s15 =	simm.s32 $0x0;
	[bflag:$0x0] =	sbarrier.arrive $0xFFFF  }
0x1b: {  	[spmem:s2] =	stream.indirect.scatter.add.f32 [tilespmem:s9], [sflag:$0x1], $0x10, s15, s13, $0xb8;
	[tilespmem:$0x5800] =	vst v63  }
0x1c: {  	_ =	swait.ge [sflag:s10], $0x800  }
0x1d: {  	s15 =	simm.s32 $0x200;
	[sflag:s10] =	ssyncset.done $0x0  }
.LBB2_2:
0x1e: {  	s16 =	sshra.s32 s15, $0x2;
	[sflag:s10] =	ssyncadd.s32 $0xFFFFF800;
	p0 =	sne.s32 s15, $0x9E00  }
0x1f: {  	[spmem:s2] =	stream.indirect.scatter.add.f32 [tilespmem:s9], [sflag:$0x1], $0x10, s16, s13, $0xb8;
	[tilespmem:$0x5800] =	vst v63  }
.Ltmp0:
0x20: {  	_ = 	snop;
	(pc) =	sbr.rel @p0 .LBB2_2-.Ltmp0, $4  }
0x21: {  	_ = 	snop  }
0x22: {  	s15 =	sadd.s32 $0x200, s15  }
0x23: {  	_ =	swait.ge [sflag:s10], $0x800  }
0x24: {  	[sflag:s10] =	ssyncset.done $0x0  }
0x25: {  	s14 =	sadd.s32 $0x1, s14  }
0x26: {  	[sflag:s10] =	ssyncadd.s32 $0xFFFFF800;
	p0 =	sne.s32 s14, s8  }
.Ltmp1:
0x27: {  	[bflag:$0x0] =	sbarrier.arrive $0xFFFF;
	(pc) =	sbr.rel @p0 .LBB2_1-.Ltmp1, $4  }
0x28: {  	[hbm:s7], [sflag:s11] =	dma.local [spmem:s12], $0x500  }
0x29: {  	_ =	swait.ge [sflag:s10], $0x500  }
0x2a: {  	[sflag:s10] =	ssyncset.done $0x0  }
0x2b: {  	[sflag:s10] =	ssyncadd.s32 $0xFFFFFB00  }
0x2c: {  	_ =	sfence.sel $0x180000  }
0x2d: {  	[bflag:$0x0] =	sbarrier.arrive $0xFFFF  }
0x2e: {  	p0 =	sne.s32 s0, $0x0;
	_ =	strace $0x90000047  }
0x2f: {  	s0 =	sadd.s32 @!p0 $0x100000, s1;
	[bflag:$0x2] =	sbarrier.arrive $0xFFFF  }
0x30: {  	[sflag:s0] =	ssyncadd.tile.s32 @!p0 $0x1;
	_ =	shalt  }
.Lfunc_end2:
_tile_overlayer_lowered:
.L_overlay_start_2:
0x31: {  	(tag) =	ssettag $0x2  }
0x32: {  	s0 =	rddreg [dreg:$0x0];
	s2 =	stileid.u32  }
0x33: {  	s1 =	rddreg [dreg:$0x1];
	p0 =	sne.s32 s2, $0x0  }
0x34: {  	s3 =	rddreg [dreg:$0x2];
	[bflag:$0x3] =	sbarrier.arrive $0xFFFF;
	s2 =	simm.s32 @!p0 $0x1C01  }
0x35: {  	[timem:s3], [sflag:s2] =	dma.local @!p0 [hbm:s0], s1  }
0x36: {  	s0 =	simm.s32 @!p0 $0x1  }
0x37: {  	_ =	swait.ge @!p0 [sflag:s0], s1  }
0x38: {  	s1 =	ssub.s32 @!p0 $0x0, s1;
	[sflag:s0] =	ssyncset.done @!p0 $0x0  }
0x39: {  	[sflag:s0] =	ssyncadd.s32 @!p0 s1  }
0x3a: {  	[bflag:$0x3] =	sbarrier.arrive $0xFFFF  }
0x3b: {  	_ =	shalt  }

</sc_bundles>
